<compile_context>
chip_gen: v7x
topology: tpu7x:2x2x1
jax: 0.10.2.dev20260603
libtpu: 0.0.44.dev20260713+nightly
codegen_flags: <defaults>
</compile_context>

<pallas_src>
import functools

import numpy as np
import jax
import jax.numpy as jnp
from jax import lax
from jax.experimental import pallas as pl
from jax.experimental.pallas import tpu as pltpu
from jax.experimental.pallas import tpu_sc as plsc

_R, _C = 100, 9
_L = 16
_ROWS_PER_W = 8
_NW = 13



def _rotl(x, r):
    return ((x << np.uint32(r)) | (x >> np.uint32(32 - r))).astype(np.uint32)


def _threefry2x32(k1, k2, x1, x2):
    x1 = x1.astype(np.uint32).copy()
    x2 = x2.astype(np.uint32).copy()
    ks0 = np.uint32(k1)
    ks1 = np.uint32(k2)
    ks2 = np.uint32(ks0 ^ ks1 ^ np.uint32(0x1BD11BDA))
    rot1 = (13, 15, 26, 6)
    rot2 = (17, 29, 16, 24)
    x1 = (x1 + ks0).astype(np.uint32)
    x2 = (x2 + ks1).astype(np.uint32)
    ks = [ks0, ks1, ks2]
    for i in range(5):
        for r in rot1 if i % 2 == 0 else rot2:
            x1 = (x1 + x2).astype(np.uint32)
            x2 = _rotl(x2, r)
            x2 = (x2 ^ x1).astype(np.uint32)
        x1 = (x1 + ks[(i + 1) % 3]).astype(np.uint32)
        x2 = (x2 + ks[(i + 2) % 3] + np.uint32(i + 1)).astype(np.uint32)
    return x1, x2


def _subkey(key_pair, i):
    a, b = _threefry2x32(
        key_pair[0], key_pair[1],
        np.zeros(1, np.uint32), np.full(1, i, np.uint32))
    return a[0], b[0]


def _unit_floats(key_pair, count):
    iota = np.arange(count, dtype=np.uint32)
    zero = np.zeros(count, dtype=np.uint32)
    a, b = _threefry2x32(key_pair[0], key_pair[1], zero, iota)
    bits = a ^ b
    return (((bits >> np.uint32(9)) | np.uint32(0x3F800000))
            .view(np.float32) - np.float32(1.0))


_KEY42 = (np.uint32(0), np.uint32(42))
_TINY = np.finfo(np.float32).tiny
_UE = _unit_floats(_subkey(_KEY42, 0), _R * _C).astype(np.float64)
_UT = _unit_floats(_subkey(_KEY42, 1), _R * _C).astype(np.float64)
_UT = np.maximum(float(_TINY), _UT * (1.0 - float(_TINY)) + float(_TINY))
_GUM = (-np.log(np.clip(-np.log1p(-_UE), float(_TINY), None))).astype(np.float32)
_EG = (-1.0 / np.log(_UT)).astype(np.float32)

_RPAD = _NW * _ROWS_PER_W
_CONSTS = np.zeros((_RPAD, 2, _L), np.float32)
_CONSTS[:, 0, _C:] = -1e30
_CONSTS[:_R, 0, :_C] = _GUM.reshape(_R, _C)
_CONSTS[:_R, 1, :_C] = _EG.reshape(_R, _C)
_CONSTS_FLAT = _CONSTS.reshape(_RPAD * 2 * _L)



_mesh = plsc.VectorSubcoreMesh(
    core_axis_name="c", subcore_axis_name="s", num_cores=1)

_GDN = lax.GatherDimensionNumbers(
    offset_dims=(), collapsed_slice_dims=(0,), start_index_map=(0,))


def _shuf(v, idx):
    return lax.gather(v, idx[:, None], _GDN, (1,),
                      mode=lax.GatherScatterMode.PROMISE_IN_BOUNDS)


def _bfly(v, op, lanes):
    for s in (8, 4, 2, 1):
        v = op(v, _shuf(v, lanes ^ s))
    return v


@functools.partial(
    pl.kernel,
    mesh=_mesh,
    out_type=jax.ShapeDtypeStruct((_R * 2,), jnp.int32),
    scratch_types=[
        pltpu.VMEM((944,), jnp.float32),
        pltpu.VMEM((_ROWS_PER_W * 2 * _L,), jnp.float32),
        pltpu.VMEM((_L,), jnp.int32),
        pltpu.SemaphoreType.DMA,
        pltpu.SemaphoreType.DMA,
    ],
)
def _sc_sample(w_hbm, c_hbm, out_hbm, w_v, c_v, out_v, sem_w, sem_c):
    wid = lax.axis_index("s")

    @pl.when(wid < _NW)
    def _():
        cw = pltpu.async_copy(w_hbm, w_v.at[pl.ds(0, _R * _C)], sem_w)
        cc = pltpu.async_copy(
            c_hbm.at[pl.ds(wid * (_ROWS_PER_W * 2 * _L),
                           _ROWS_PER_W * 2 * _L)], c_v, sem_c)
        cw.wait()
        cc.wait()
        lanes = lax.iota(jnp.int32, _L)
        acc = jnp.zeros((_L,), jnp.int32)
        base = wid * _ROWS_PER_W
        for r in range(_ROWS_PER_W):
            wrow = w_v[pl.ds((base + r) * _C, _L)]
            wrow = jnp.where(lanes < _C, wrow, jnp.float32(0.0))
            grow = c_v[pl.ds(r * 2 * _L, _L)]
            erow = c_v[pl.ds(r * 2 * _L + _L, _L)]
            nl = (wrow + grow) / 0.5
            pun = jnp.exp(nl)
            z = _bfly(pun, jnp.add, lanes)
            score = (pun / z + jnp.float32(1e-07)) * erow
            m1 = _bfly(score, jnp.maximum, lanes)
            i1 = _bfly(jnp.where(score == m1, lanes, jnp.int32(_L)),
                       jnp.minimum, lanes)
            score2 = jnp.where(lanes == i1, jnp.float32(-1.0), score)
            m2 = _bfly(score2, jnp.maximum, lanes)
            i2 = _bfly(jnp.where(score2 == m2, lanes, jnp.int32(_L)),
                       jnp.minimum, lanes)
            acc = jnp.where(lanes == 2 * r, i1, acc)
            acc = jnp.where(lanes == 2 * r + 1, i2, acc)
        out_v[...] = acc

        @pl.when(wid < _NW - 1)
        def _():
            pltpu.sync_copy(out_v.at[pl.ds(0, _ROWS_PER_W * 2)],
                            out_hbm.at[pl.ds(wid * _ROWS_PER_W * 2,
                                             _ROWS_PER_W * 2)])

        @pl.when(wid == _NW - 1)
        def _():
            tail = _R * 2 - (_NW - 1) * _ROWS_PER_W * 2
            pltpu.sync_copy(out_v.at[pl.ds(0, tail)],
                            out_hbm.at[pl.ds((_NW - 1) * _ROWS_PER_W * 2, tail)])


def kernel(inputs, weight):
    del inputs
    out = _sc_sample(weight.reshape(_R * _C), jnp.asarray(_CONSTS_FLAT))
    return out.reshape(_R, 2)

# --- scband reference (transcript-rebuilt; emitter-appended) ---
"""Pipeline reference for scband-my-model-61933428411284 (READ-ONLY COPY).

The authoritative reference and input builder live on the scoring server;
editing this copy changes nothing except your own understanding.
"""

import jax, jax.numpy as jnp
import numpy as np


def setup_inputs(seed: int = 0) -> dict:
    key = jax.random.key(seed)
    k1, k2 = jax.random.split(key)
    inputs = jax.random.normal(k1, (1024, 9), dtype=jnp.float32)
    # The torch forward re-initializes self.weight in-place with N(0, 0.01) via
    # nn.init.normal_ before using it, so we materialize the post-init values here
    # and treat them as the logits consumed by the rest of the forward.
    weight = 0.01 * jax.random.normal(k2, (100, 9), dtype=jnp.float32)
    return {"inputs": inputs, "weight": weight}


def reference(inputs, weight):
    # `inputs` is accepted but unused, exactly as in the torch module.
    key = jax.random.key(42)
    kg, ks = jax.random.split(key)
    logits = weight  # values already ~ N(0, 0.01) per the in-place re-init
    tiny = jnp.finfo(logits.dtype).tiny
    # torch: gumbels = -empty_like(logits).exponential_().clamp_(min=tiny).log()
    e = jax.random.exponential(kg, logits.shape, dtype=logits.dtype)
    gumbels = -jnp.log(jnp.clip(e, tiny, None))
    new_logits = (logits + gumbels) / 0.5
    probs = jax.nn.softmax(new_logits, axis=1)
    p = probs + 1e-07
    # torch.multinomial(p, 2, replacement=False) per row == Gumbel-top-k trick:
    # draw k indices without replacement with probability proportional to p.
    u = jax.random.uniform(ks, p.shape, dtype=p.dtype, minval=tiny, maxval=1.0)
    g = -jnp.log(-jnp.log(u))
    _, selected_index = jax.lax.top_k(jnp.log(p) + g, 2)
    return selected_index

if __name__ == "__main__":
    import jax
    _d = setup_inputs()
    print(jax.jit(kernel)(*tuple(_d.values())))

</pallas_src>

<mosaic_0001>
#map = affine_map<(d0, d1) -> (0)>
module attributes {stable_mosaic.version = 14 : i64} {
  func.func @_sc_sample(%arg0: i32, %arg1: i32, %arg2: memref<900xf32, #tpu.memory_space<hbm>>, %arg3: memref<3328xf32, #tpu.memory_space<hbm>>, %arg4: memref<200xi32, #tpu.memory_space<hbm>>, %arg5: memref<944xf32, #tpu.memory_space<vmem>>, %arg6: memref<256xf32, #tpu.memory_space<vmem>>, %arg7: memref<16xi32, #tpu.memory_space<vmem>>, %arg8: memref<!tpu.dma_semaphore, #tpu.memory_space<semaphore_mem>>, %arg9: memref<!tpu.dma_semaphore, #tpu.memory_space<semaphore_mem>>) attributes {dimension_semantics = [#tpu.dimension_semantics<core_parallel>, #tpu.dimension_semantics<subcore_parallel>], iteration_bounds = array<i64: 1, 16>, scalar_prefetch = 0 : i64, scratch_operands = 5 : i64, tpu.core_type = #tpu.core_type<sc_vector_subcore>, window_params = [{transform_indices = #map}, {transform_indices = #map}, {transform_indices = #map}]} {
    %lt3A = arith.constant 13 : i32
    %lt3A_0 = arith.cmpi slt, %arg1, %lt3A : i32
    %convert_element_type3A = arith.extui %lt3A_0 : i1 to i32
    %cond3A = arith.constant 0 : i32
    %cond3A_1 = arith.cmpi ne, %convert_element_type3A, %cond3A : i32
    scf.if %cond3A_1 {
      %dma_start3A = arith.constant 0 : i32
      %dma_start3A_2 = tpu.memref_slice %arg5[%dma_start3A] : memref<944xf32, #tpu.memory_space<vmem>> -> memref<900xf32, #tpu.memory_space<vmem>>
      %dma_start3A_3 = arith.constant 0 : i32
      %dma_start3A_4 = tpu.memref_slice %arg5[%dma_start3A_3] : memref<944xf32, #tpu.memory_space<vmem>> -> memref<900xf32, #tpu.memory_space<vmem>>
      tpu.enqueue_dma source(%arg2 : memref<900xf32, #tpu.memory_space<hbm>>) target(%dma_start3A_4 : memref<900xf32, #tpu.memory_space<vmem>>) target_semaphore(%arg8 : memref<!tpu.dma_semaphore, #tpu.memory_space<semaphore_mem>>)
      %mul3A = arith.constant 256 : i32
      %mul3A_5 = arith.muli %arg1, %mul3A : i32
      %dma_start3A_6 = tpu.memref_slice %arg3[%mul3A_5] : memref<3328xf32, #tpu.memory_space<hbm>> -> memref<256xf32, #tpu.memory_space<hbm>>
      %dma_start3A_7 = tpu.memref_slice %arg3[%mul3A_5] : memref<3328xf32, #tpu.memory_space<hbm>> -> memref<256xf32, #tpu.memory_space<hbm>>
      tpu.enqueue_dma source(%dma_start3A_7 : memref<256xf32, #tpu.memory_space<hbm>>) target(%arg6 : memref<256xf32, #tpu.memory_space<vmem>>) target_semaphore(%arg9 : memref<!tpu.dma_semaphore, #tpu.memory_space<semaphore_mem>>)
      %dma_wait3A = arith.constant 0 : i32
      %dma_wait3A_8 = tpu.memref_slice %arg5[%dma_wait3A] : memref<944xf32, #tpu.memory_space<vmem>> -> memref<900xf32, #tpu.memory_space<vmem>>
      %dma_wait3A_9 = arith.constant 0 : i32
      %dma_wait3A_10 = tpu.memref_slice %arg5[%dma_wait3A_9] : memref<944xf32, #tpu.memory_space<vmem>> -> memref<900xf32, #tpu.memory_space<vmem>>
      tpu.wait_dma2 semaphore(%arg8 : memref<!tpu.dma_semaphore, #tpu.memory_space<semaphore_mem>>) src(%arg2 : memref<900xf32, #tpu.memory_space<hbm>>) dst(%dma_wait3A_10 : memref<900xf32, #tpu.memory_space<vmem>>)
      %dma_wait3A_11 = tpu.memref_slice %arg3[%mul3A_5] : memref<3328xf32, #tpu.memory_space<hbm>> -> memref<256xf32, #tpu.memory_space<hbm>>
      %dma_wait3A_12 = tpu.memref_slice %arg3[%mul3A_5] : memref<3328xf32, #tpu.memory_space<hbm>> -> memref<256xf32, #tpu.memory_space<hbm>>
      tpu.wait_dma2 semaphore(%arg9 : memref<!tpu.dma_semaphore, #tpu.memory_space<semaphore_mem>>) src(%dma_wait3A_12 : memref<256xf32, #tpu.memory_space<hbm>>) dst(%arg6 : memref<256xf32, #tpu.memory_space<vmem>>)
      %iota3A = tpu.iota {dimensions = array<i32: 0>} : vector<16xi32>
      %broadcast_in_dim3A = arith.constant 0 : i32
      %broadcast_in_dim3A_13 = vector.broadcast %broadcast_in_dim3A : i32 to vector<16xi32>
      %mul3A_14 = arith.constant 8 : i32
      %mul3A_15 = arith.muli %arg1, %mul3A_14 : i32
      %add3A = arith.constant 0 : i32
      %add3A_16 = arith.addi %mul3A_15, %add3A : i32
      %mul3A_17 = arith.constant 9 : i32
      %mul3A_18 = arith.muli %add3A_16, %mul3A_17 : i32
      %get3A = arith.index_cast %mul3A_18 : i32 to index
      %get3A_19 = tpu.vector_load %arg5[%get3A] {strides = array<i32>} : memref<944xf32, #tpu.memory_space<vmem>>, vector<16xf32>,
      %get3A_20 = vector.shape_cast %get3A_19 : vector<16xf32> to vector<16xf32>
      %lt3A_21 = arith.constant 9 : i32
      %lt3A_22 = vector.broadcast %lt3A_21 : i32 to vector<16xi32>
      %lt3A_23 = arith.cmpi slt, %iota3A, %lt3A_22 : vector<16xi32>
      %jit3A = arith.constant 0.000000e+00 : f32
      %broadcast_in_dim3A_24 = vector.broadcast %jit3A : f32 to vector<16xf32>
      %select_n3A = arith.select %lt3A_23, %get3A_20, %broadcast_in_dim3A_24 : vector<16xi1>, vector<16xf32>
      %get3A_25 = arith.constant 0 : index
      %get3A_26 = tpu.vector_load %arg6[%get3A_25] {strides = array<i32>} : memref<256xf32, #tpu.memory_space<vmem>>, vector<16xf32>,
      %get3A_27 = vector.shape_cast %get3A_26 : vector<16xf32> to vector<16xf32>
      %get3A_28 = arith.constant 16 : index
      %get3A_29 = tpu.vector_load %arg6[%get3A_28] {strides = array<i32>} : memref<256xf32, #tpu.memory_space<vmem>>, vector<16xf32>,
      %get3A_30 = vector.shape_cast %get3A_29 : vector<16xf32> to vector<16xf32>
      %add3A_31 = arith.addf %select_n3A, %get3A_27 : vector<16xf32>
      %div3A = arith.constant 5.000000e-01 : f32
      %div3A_32 = vector.broadcast %div3A : f32 to vector<16xf32>
      %div3A_33 = arith.divf %add3A_31, %div3A_32 : vector<16xf32>
      %exp3A = math.exp %div3A_33 : vector<16xf32>
      %xor3A = arith.constant 8 : i32
      %xor3A_34 = vector.broadcast %xor3A : i32 to vector<16xi32>
      %xor3A_35 = arith.xori %iota3A, %xor3A_34 : vector<16xi32>
      %broadcast_in_dim3A_36 = vector.shape_cast %xor3A_35 : vector<16xi32> to vector<16x1xi32>
      %gather3A = vector.shape_cast %broadcast_in_dim3A_36 : vector<16x1xi32> to vector<16xi32>
      %gather3A_37 = tpu.dynamic_gather %exp3A[%gather3A] in [0] : vector<16xf32>, vector<16xi32> -> vector<16xf32>
      %add3A_38 = arith.addf %exp3A, %gather3A_37 : vector<16xf32>
      %xor3A_39 = arith.constant 4 : i32
      %xor3A_40 = vector.broadcast %xor3A_39 : i32 to vector<16xi32>
      %xor3A_41 = arith.xori %iota3A, %xor3A_40 : vector<16xi32>
      %broadcast_in_dim3A_42 = vector.shape_cast %xor3A_41 : vector<16xi32> to vector<16x1xi32>
      %gather3A_43 = vector.shape_cast %broadcast_in_dim3A_42 : vector<16x1xi32> to vector<16xi32>
      %gather3A_44 = tpu.dynamic_gather %add3A_38[%gather3A_43] in [0] : vector<16xf32>, vector<16xi32> -> vector<16xf32>
      %add3A_45 = arith.addf %add3A_38, %gather3A_44 : vector<16xf32>
      %xor3A_46 = arith.constant 2 : i32
      %xor3A_47 = vector.broadcast %xor3A_46 : i32 to vector<16xi32>
      %xor3A_48 = arith.xori %iota3A, %xor3A_47 : vector<16xi32>
      %broadcast_in_dim3A_49 = vector.shape_cast %xor3A_48 : vector<16xi32> to vector<16x1xi32>
      %gather3A_50 = vector.shape_cast %broadcast_in_dim3A_49 : vector<16x1xi32> to vector<16xi32>
      %gather3A_51 = tpu.dynamic_gather %add3A_45[%gather3A_50] in [0] : vector<16xf32>, vector<16xi32> -> vector<16xf32>
      %add3A_52 = arith.addf %add3A_45, %gather3A_51 : vector<16xf32>
      %xor3A_53 = arith.constant 1 : i32
      %xor3A_54 = vector.broadcast %xor3A_53 : i32 to vector<16xi32>
      %xor3A_55 = arith.xori %iota3A, %xor3A_54 : vector<16xi32>
      %broadcast_in_dim3A_56 = vector.shape_cast %xor3A_55 : vector<16xi32> to vector<16x1xi32>
      %gather3A_57 = vector.shape_cast %broadcast_in_dim3A_56 : vector<16x1xi32> to vector<16xi32>
      %gather3A_58 = tpu.dynamic_gather %add3A_52[%gather3A_57] in [0] : vector<16xf32>, vector<16xi32> -> vector<16xf32>
      %add3A_59 = arith.addf %add3A_52, %gather3A_58 : vector<16xf32>
      %div3A_60 = arith.divf %exp3A, %add3A_59 : vector<16xf32>
      %add3A_61 = arith.constant 1.000000e-07 : f32
      %add3A_62 = vector.broadcast %add3A_61 : f32 to vector<16xf32>
      %add3A_63 = arith.addf %div3A_60, %add3A_62 : vector<16xf32>
      %mul3A_64 = arith.mulf %add3A_63, %get3A_30 : vector<16xf32>
      %xor3A_65 = arith.constant 8 : i32
      %xor3A_66 = vector.broadcast %xor3A_65 : i32 to vector<16xi32>
      %xor3A_67 = arith.xori %iota3A, %xor3A_66 : vector<16xi32>
      %broadcast_in_dim3A_68 = vector.shape_cast %xor3A_67 : vector<16xi32> to vector<16x1xi32>
      %gather3A_69 = vector.shape_cast %broadcast_in_dim3A_68 : vector<16x1xi32> to vector<16xi32>
      %gather3A_70 = tpu.dynamic_gather %mul3A_64[%gather3A_69] in [0] : vector<16xf32>, vector<16xi32> -> vector<16xf32>
      %max3A = arith.maximumf %mul3A_64, %gather3A_70 : vector<16xf32>
      %xor3A_71 = arith.constant 4 : i32
      %xor3A_72 = vector.broadcast %xor3A_71 : i32 to vector<16xi32>
      %xor3A_73 = arith.xori %iota3A, %xor3A_72 : vector<16xi32>
      %broadcast_in_dim3A_74 = vector.shape_cast %xor3A_73 : vector<16xi32> to vector<16x1xi32>
      %gather3A_75 = vector.shape_cast %broadcast_in_dim3A_74 : vector<16x1xi32> to vector<16xi32>
      %gather3A_76 = tpu.dynamic_gather %max3A[%gather3A_75] in [0] : vector<16xf32>, vector<16xi32> -> vector<16xf32>
      %max3A_77 = arith.maximumf %max3A, %gather3A_76 : vector<16xf32>
      %xor3A_78 = arith.constant 2 : i32
      %xor3A_79 = vector.broadcast %xor3A_78 : i32 to vector<16xi32>
      %xor3A_80 = arith.xori %iota3A, %xor3A_79 : vector<16xi32>
      %broadcast_in_dim3A_81 = vector.shape_cast %xor3A_80 : vector<16xi32> to vector<16x1xi32>
      %gather3A_82 = vector.shape_cast %broadcast_in_dim3A_81 : vector<16x1xi32> to vector<16xi32>
      %gather3A_83 = tpu.dynamic_gather %max3A_77[%gather3A_82] in [0] : vector<16xf32>, vector<16xi32> -> vector<16xf32>
      %max3A_84 = arith.maximumf %max3A_77, %gather3A_83 : vector<16xf32>
      %xor3A_85 = arith.constant 1 : i32
      %xor3A_86 = vector.broadcast %xor3A_85 : i32 to vector<16xi32>
      %xor3A_87 = arith.xori %iota3A, %xor3A_86 : vector<16xi32>
      %broadcast_in_dim3A_88 = vector.shape_cast %xor3A_87 : vector<16xi32> to vector<16x1xi32>
      %gather3A_89 = vector.shape_cast %broadcast_in_dim3A_88 : vector<16x1xi32> to vector<16xi32>
      %gather3A_90 = tpu.dynamic_gather %max3A_84[%gather3A_89] in [0] : vector<16xf32>, vector<16xi32> -> vector<16xf32>
      %max3A_91 = arith.maximumf %max3A_84, %gather3A_90 : vector<16xf32>
      %eq3A = arith.cmpf oeq, %mul3A_64, %max3A_91 : vector<16xf32>
      %jit3A_92 = arith.constant 16 : i32
      %broadcast_in_dim3A_93 = vector.broadcast %jit3A_92 : i32 to vector<16xi32>
      %select_n3A_94 = arith.select %eq3A, %iota3A, %broadcast_in_dim3A_93 : vector<16xi1>, vector<16xi32>
      %xor3A_95 = arith.constant 8 : i32
      %xor3A_96 = vector.broadcast %xor3A_95 : i32 to vector<16xi32>
      %xor3A_97 = arith.xori %iota3A, %xor3A_96 : vector<16xi32>
      %broadcast_in_dim3A_98 = vector.shape_cast %xor3A_97 : vector<16xi32> to vector<16x1xi32>
      %gather3A_99 = vector.shape_cast %broadcast_in_dim3A_98 : vector<16x1xi32> to vector<16xi32>
      %gather3A_100 = tpu.dynamic_gather %select_n3A_94[%gather3A_99] in [0] : vector<16xi32>, vector<16xi32> -> vector<16xi32>
      %min3A = arith.minsi %select_n3A_94, %gather3A_100 : vector<16xi32>
      %xor3A_101 = arith.constant 4 : i32
      %xor3A_102 = vector.broadcast %xor3A_101 : i32 to vector<16xi32>
      %xor3A_103 = arith.xori %iota3A, %xor3A_102 : vector<16xi32>
      %broadcast_in_dim3A_104 = vector.shape_cast %xor3A_103 : vector<16xi32> to vector<16x1xi32>
      %gather3A_105 = vector.shape_cast %broadcast_in_dim3A_104 : vector<16x1xi32> to vector<16xi32>
      %gather3A_106 = tpu.dynamic_gather %min3A[%gather3A_105] in [0] : vector<16xi32>, vector<16xi32> -> vector<16xi32>
      %min3A_107 = arith.minsi %min3A, %gather3A_106 : vector<16xi32>
      %xor3A_108 = arith.constant 2 : i32
      %xor3A_109 = vector.broadcast %xor3A_108 : i32 to vector<16xi32>
      %xor3A_110 = arith.xori %iota3A, %xor3A_109 : vector<16xi32>
      %broadcast_in_dim3A_111 = vector.shape_cast %xor3A_110 : vector<16xi32> to vector<16x1xi32>
      %gather3A_112 = vector.shape_cast %broadcast_in_dim3A_111 : vector<16x1xi32> to vector<16xi32>
      %gather3A_113 = tpu.dynamic_gather %min3A_107[%gather3A_112] in [0] : vector<16xi32>, vector<16xi32> -> vector<16xi32>
      %min3A_114 = arith.minsi %min3A_107, %gather3A_113 : vector<16xi32>
      %xor3A_115 = arith.constant 1 : i32
      %xor3A_116 = vector.broadcast %xor3A_115 : i32 to vector<16xi32>
      %xor3A_117 = arith.xori %iota3A, %xor3A_116 : vector<16xi32>
      %broadcast_in_dim3A_118 = vector.shape_cast %xor3A_117 : vector<16xi32> to vector<16x1xi32>
      %gather3A_119 = vector.shape_cast %broadcast_in_dim3A_118 : vector<16x1xi32> to vector<16xi32>
      %gather3A_120 = tpu.dynamic_gather %min3A_114[%gather3A_119] in [0] : vector<16xi32>, vector<16xi32> -> vector<16xi32>
      %min3A_121 = arith.minsi %min3A_114, %gather3A_120 : vector<16xi32>
      %eq3A_122 = arith.cmpi eq, %iota3A, %min3A_121 : vector<16xi32>
      %jit3A_123 = arith.constant -1.000000e+00 : f32
      %broadcast_in_dim3A_124 = vector.broadcast %jit3A_123 : f32 to vector<16xf32>
      %select_n3A_125 = arith.select %eq3A_122, %broadcast_in_dim3A_124, %mul3A_64 : vector<16xi1>, vector<16xf32>
      %xor3A_126 = arith.constant 8 : i32
      %xor3A_127 = vector.broadcast %xor3A_126 : i32 to vector<16xi32>
      %xor3A_128 = arith.xori %iota3A, %xor3A_127 : vector<16xi32>
      %broadcast_in_dim3A_129 = vector.shape_cast %xor3A_128 : vector<16xi32> to vector<16x1xi32>
      %gather3A_130 = vector.shape_cast %broadcast_in_dim3A_129 : vector<16x1xi32> to vector<16xi32>
      %gather3A_131 = tpu.dynamic_gather %select_n3A_125[%gather3A_130] in [0] : vector<16xf32>, vector<16xi32> -> vector<16xf32>
      %max3A_132 = arith.maximumf %select_n3A_125, %gather3A_131 : vector<16xf32>
      %xor3A_133 = arith.constant 4 : i32
      %xor3A_134 = vector.broadcast %xor3A_133 : i32 to vector<16xi32>
      %xor3A_135 = arith.xori %iota3A, %xor3A_134 : vector<16xi32>
      %broadcast_in_dim3A_136 = vector.shape_cast %xor3A_135 : vector<16xi32> to vector<16x1xi32>
      %gather3A_137 = vector.shape_cast %broadcast_in_dim3A_136 : vector<16x1xi32> to vector<16xi32>
      %gather3A_138 = tpu.dynamic_gather %max3A_132[%gather3A_137] in [0] : vector<16xf32>, vector<16xi32> -> vector<16xf32>
      %max3A_139 = arith.maximumf %max3A_132, %gather3A_138 : vector<16xf32>
      %xor3A_140 = arith.constant 2 : i32
      %xor3A_141 = vector.broadcast %xor3A_140 : i32 to vector<16xi32>
      %xor3A_142 = arith.xori %iota3A, %xor3A_141 : vector<16xi32>
      %broadcast_in_dim3A_143 = vector.shape_cast %xor3A_142 : vector<16xi32> to vector<16x1xi32>
      %gather3A_144 = vector.shape_cast %broadcast_in_dim3A_143 : vector<16x1xi32> to vector<16xi32>
      %gather3A_145 = tpu.dynamic_gather %max3A_139[%gather3A_144] in [0] : vector<16xf32>, vector<16xi32> -> vector<16xf32>
      %max3A_146 = arith.maximumf %max3A_139, %gather3A_145 : vector<16xf32>
      %xor3A_147 = arith.constant 1 : i32
      %xor3A_148 = vector.broadcast %xor3A_147 : i32 to vector<16xi32>
      %xor3A_149 = arith.xori %iota3A, %xor3A_148 : vector<16xi32>
      %broadcast_in_dim3A_150 = vector.shape_cast %xor3A_149 : vector<16xi32> to vector<16x1xi32>
      %gather3A_151 = vector.shape_cast %broadcast_in_dim3A_150 : vector<16x1xi32> to vector<16xi32>
      %gather3A_152 = tpu.dynamic_gather %max3A_146[%gather3A_151] in [0] : vector<16xf32>, vector<16xi32> -> vector<16xf32>
      %max3A_153 = arith.maximumf %max3A_146, %gather3A_152 : vector<16xf32>
      %eq3A_154 = arith.cmpf oeq, %select_n3A_125, %max3A_153 : vector<16xf32>
      %jit3A_155 = arith.constant 16 : i32
      %broadcast_in_dim3A_156 = vector.broadcast %jit3A_155 : i32 to vector<16xi32>
      %select_n3A_157 = arith.select %eq3A_154, %iota3A, %broadcast_in_dim3A_156 : vector<16xi1>, vector<16xi32>
      %xor3A_158 = arith.constant 8 : i32
      %xor3A_159 = vector.broadcast %xor3A_158 : i32 to vector<16xi32>
      %xor3A_160 = arith.xori %iota3A, %xor3A_159 : vector<16xi32>
      %broadcast_in_dim3A_161 = vector.shape_cast %xor3A_160 : vector<16xi32> to vector<16x1xi32>
      %gather3A_162 = vector.shape_cast %broadcast_in_dim3A_161 : vector<16x1xi32> to vector<16xi32>
      %gather3A_163 = tpu.dynamic_gather %select_n3A_157[%gather3A_162] in [0] : vector<16xi32>, vector<16xi32> -> vector<16xi32>
      %min3A_164 = arith.minsi %select_n3A_157, %gather3A_163 : vector<16xi32>
      %xor3A_165 = arith.constant 4 : i32
      %xor3A_166 = vector.broadcast %xor3A_165 : i32 to vector<16xi32>
      %xor3A_167 = arith.xori %iota3A, %xor3A_166 : vector<16xi32>
      %broadcast_in_dim3A_168 = vector.shape_cast %xor3A_167 : vector<16xi32> to vector<16x1xi32>
      %gather3A_169 = vector.shape_cast %broadcast_in_dim3A_168 : vector<16x1xi32> to vector<16xi32>
      %gather3A_170 = tpu.dynamic_gather %min3A_164[%gather3A_169] in [0] : vector<16xi32>, vector<16xi32> -> vector<16xi32>
      %min3A_171 = arith.minsi %min3A_164, %gather3A_170 : vector<16xi32>
      %xor3A_172 = arith.constant 2 : i32
      %xor3A_173 = vector.broadcast %xor3A_172 : i32 to vector<16xi32>
      %xor3A_174 = arith.xori %iota3A, %xor3A_173 : vector<16xi32>
      %broadcast_in_dim3A_175 = vector.shape_cast %xor3A_174 : vector<16xi32> to vector<16x1xi32>
      %gather3A_176 = vector.shape_cast %broadcast_in_dim3A_175 : vector<16x1xi32> to vector<16xi32>
      %gather3A_177 = tpu.dynamic_gather %min3A_171[%gather3A_176] in [0] : vector<16xi32>, vector<16xi32> -> vector<16xi32>
      %min3A_178 = arith.minsi %min3A_171, %gather3A_177 : vector<16xi32>
      %xor3A_179 = arith.constant 1 : i32
      %xor3A_180 = vector.broadcast %xor3A_179 : i32 to vector<16xi32>
      %xor3A_181 = arith.xori %iota3A, %xor3A_180 : vector<16xi32>
      %broadcast_in_dim3A_182 = vector.shape_cast %xor3A_181 : vector<16xi32> to vector<16x1xi32>
      %gather3A_183 = vector.shape_cast %broadcast_in_dim3A_182 : vector<16x1xi32> to vector<16xi32>
      %gather3A_184 = tpu.dynamic_gather %min3A_178[%gather3A_183] in [0] : vector<16xi32>, vector<16xi32> -> vector<16xi32>
      %min3A_185 = arith.minsi %min3A_178, %gather3A_184 : vector<16xi32>
      %eq3A_186 = arith.constant 0 : i32
      %eq3A_187 = vector.broadcast %eq3A_186 : i32 to vector<16xi32>
      %eq3A_188 = arith.cmpi eq, %iota3A, %eq3A_187 : vector<16xi32>
      %select_n3A_189 = arith.select %eq3A_188, %min3A_121, %broadcast_in_dim3A_13 : vector<16xi1>, vector<16xi32>
      %eq3A_190 = arith.constant 1 : i32
      %eq3A_191 = vector.broadcast %eq3A_190 : i32 to vector<16xi32>
      %eq3A_192 = arith.cmpi eq, %iota3A, %eq3A_191 : vector<16xi32>
      %select_n3A_193 = arith.select %eq3A_192, %min3A_185, %select_n3A_189 : vector<16xi1>, vector<16xi32>
      %add3A_194 = arith.constant 1 : i32
      %add3A_195 = arith.addi %mul3A_15, %add3A_194 : i32
      %mul3A_196 = arith.constant 9 : i32
      %mul3A_197 = arith.muli %add3A_195, %mul3A_196 : i32
      %get3A_198 = arith.index_cast %mul3A_197 : i32 to index
      %get3A_199 = tpu.vector_load %arg5[%get3A_198] {strides = array<i32>} : memref<944xf32, #tpu.memory_space<vmem>>, vector<16xf32>,
      %get3A_200 = vector.shape_cast %get3A_199 : vector<16xf32> to vector<16xf32>
      %lt3A_201 = arith.constant 9 : i32
      %lt3A_202 = vector.broadcast %lt3A_201 : i32 to vector<16xi32>
      %lt3A_203 = arith.cmpi slt, %iota3A, %lt3A_202 : vector<16xi32>
      %jit3A_204 = arith.constant 0.000000e+00 : f32
      %broadcast_in_dim3A_205 = vector.broadcast %jit3A_204 : f32 to vector<16xf32>
      %select_n3A_206 = arith.select %lt3A_203, %get3A_200, %broadcast_in_dim3A_205 : vector<16xi1>, vector<16xf32>
      %get3A_207 = arith.constant 32 : index
      %get3A_208 = tpu.vector_load %arg6[%get3A_207] {strides = array<i32>} : memref<256xf32, #tpu.memory_space<vmem>>, vector<16xf32>,
      %get3A_209 = vector.shape_cast %get3A_208 : vector<16xf32> to vector<16xf32>
      %get3A_210 = arith.constant 48 : index
      %get3A_211 = tpu.vector_load %arg6[%get3A_210] {strides = array<i32>} : memref<256xf32, #tpu.memory_space<vmem>>, vector<16xf32>,
      %get3A_212 = vector.shape_cast %get3A_211 : vector<16xf32> to vector<16xf32>
      %add3A_213 = arith.addf %select_n3A_206, %get3A_209 : vector<16xf32>
      %div3A_214 = arith.constant 5.000000e-01 : f32
      %div3A_215 = vector.broadcast %div3A_214 : f32 to vector<16xf32>
      %div3A_216 = arith.divf %add3A_213, %div3A_215 : vector<16xf32>
      %exp3A_217 = math.exp %div3A_216 : vector<16xf32>
      %xor3A_218 = arith.constant 8 : i32
      %xor3A_219 = vector.broadcast %xor3A_218 : i32 to vector<16xi32>
      %xor3A_220 = arith.xori %iota3A, %xor3A_219 : vector<16xi32>
      %broadcast_in_dim3A_221 = vector.shape_cast %xor3A_220 : vector<16xi32> to vector<16x1xi32>
      %gather3A_222 = vector.shape_cast %broadcast_in_dim3A_221 : vector<16x1xi32> to vector<16xi32>
      %gather3A_223 = tpu.dynamic_gather %exp3A_217[%gather3A_222] in [0] : vector<16xf32>, vector<16xi32> -> vector<16xf32>
      %add3A_224 = arith.addf %exp3A_217, %gather3A_223 : vector<16xf32>
      %xor3A_225 = arith.constant 4 : i32
      %xor3A_226 = vector.broadcast %xor3A_225 : i32 to vector<16xi32>
      %xor3A_227 = arith.xori %iota3A, %xor3A_226 : vector<16xi32>
      %broadcast_in_dim3A_228 = vector.shape_cast %xor3A_227 : vector<16xi32> to vector<16x1xi32>
      %gather3A_229 = vector.shape_cast %broadcast_in_dim3A_228 : vector<16x1xi32> to vector<16xi32>
      %gather3A_230 = tpu.dynamic_gather %add3A_224[%gather3A_229] in [0] : vector<16xf32>, vector<16xi32> -> vector<16xf32>
      %add3A_231 = arith.addf %add3A_224, %gather3A_230 : vector<16xf32>
      %xor3A_232 = arith.constant 2 : i32
      %xor3A_233 = vector.broadcast %xor3A_232 : i32 to vector<16xi32>
      %xor3A_234 = arith.xori %iota3A, %xor3A_233 : vector<16xi32>
      %broadcast_in_dim3A_235 = vector.shape_cast %xor3A_234 : vector<16xi32> to vector<16x1xi32>
      %gather3A_236 = vector.shape_cast %broadcast_in_dim3A_235 : vector<16x1xi32> to vector<16xi32>
      %gather3A_237 = tpu.dynamic_gather %add3A_231[%gather3A_236] in [0] : vector<16xf32>, vector<16xi32> -> vector<16xf32>
      %add3A_238 = arith.addf %add3A_231, %gather3A_237 : vector<16xf32>
      %xor3A_239 = arith.constant 1 : i32
      %xor3A_240 = vector.broadcast %xor3A_239 : i32 to vector<16xi32>
      %xor3A_241 = arith.xori %iota3A, %xor3A_240 : vector<16xi32>
      %broadcast_in_dim3A_242 = vector.shape_cast %xor3A_241 : vector<16xi32> to vector<16x1xi32>
      %gather3A_243 = vector.shape_cast %broadcast_in_dim3A_242 : vector<16x1xi32> to vector<16xi32>
      %gather3A_244 = tpu.dynamic_gather %add3A_238[%gather3A_243] in [0] : vector<16xf32>, vector<16xi32> -> vector<16xf32>
      %add3A_245 = arith.addf %add3A_238, %gather3A_244 : vector<16xf32>
      %div3A_246 = arith.divf %exp3A_217, %add3A_245 : vector<16xf32>
      %add3A_247 = arith.constant 1.000000e-07 : f32
      %add3A_248 = vector.broadcast %add3A_247 : f32 to vector<16xf32>
      %add3A_249 = arith.addf %div3A_246, %add3A_248 : vector<16xf32>
      %mul3A_250 = arith.mulf %add3A_249, %get3A_212 : vector<16xf32>
      %xor3A_251 = arith.constant 8 : i32
      %xor3A_252 = vector.broadcast %xor3A_251 : i32 to vector<16xi32>
      %xor3A_253 = arith.xori %iota3A, %xor3A_252 : vector<16xi32>
      %broadcast_in_dim3A_254 = vector.shape_cast %xor3A_253 : vector<16xi32> to vector<16x1xi32>
      %gather3A_255 = vector.shape_cast %broadcast_in_dim3A_254 : vector<16x1xi32> to vector<16xi32>
      %gather3A_256 = tpu.dynamic_gather %mul3A_250[%gather3A_255] in [0] : vector<16xf32>, vector<16xi32> -> vector<16xf32>
      %max3A_257 = arith.maximumf %mul3A_250, %gather3A_256 : vector<16xf32>
      %xor3A_258 = arith.constant 4 : i32
      %xor3A_259 = vector.broadcast %xor3A_258 : i32 to vector<16xi32>
      %xor3A_260 = arith.xori %iota3A, %xor3A_259 : vector<16xi32>
      %broadcast_in_dim3A_261 = vector.shape_cast %xor3A_260 : vector<16xi32> to vector<16x1xi32>
      %gather3A_262 = vector.shape_cast %broadcast_in_dim3A_261 : vector<16x1xi32> to vector<16xi32>
      %gather3A_263 = tpu.dynamic_gather %max3A_257[%gather3A_262] in [0] : vector<16xf32>, vector<16xi32> -> vector<16xf32>
      %max3A_264 = arith.maximumf %max3A_257, %gather3A_263 : vector<16xf32>
      %xor3A_265 = arith.constant 2 : i32
      %xor3A_266 = vector.broadcast %xor3A_265 : i32 to vector<16xi32>
      %xor3A_267 = arith.xori %iota3A, %xor3A_266 : vector<16xi32>
      %broadcast_in_dim3A_268 = vector.shape_cast %xor3A_267 : vector<16xi32> to vector<16x1xi32>
      %gather3A_269 = vector.shape_cast %broadcast_in_dim3A_268 : vector<16x1xi32> to vector<16xi32>
      %gather3A_270 = tpu.dynamic_gather %max3A_264[%gather3A_269] in [0] : vector<16xf32>, vector<16xi32> -> vector<16xf32>
      %max3A_271 = arith.maximumf %max3A_264, %gather3A_270 : vector<16xf32>
      %xor3A_272 = arith.constant 1 : i32
      %xor3A_273 = vector.broadcast %xor3A_272 : i32 to vector<16xi32>
      %xor3A_274 = arith.xori %iota3A, %xor3A_273 : vector<16xi32>
      %broadcast_in_dim3A_275 = vector.shape_cast %xor3A_274 : vector<16xi32> to vector<16x1xi32>
      %gather3A_276 = vector.shape_cast %broadcast_in_dim3A_275 : vector<16x1xi32> to vector<16xi32>
      %gather3A_277 = tpu.dynamic_gather %max3A_271[%gather3A_276] in [0] : vector<16xf32>, vector<16xi32> -> vector<16xf32>
      %max3A_278 = arith.maximumf %max3A_271, %gather3A_277 : vector<16xf32>
      %eq3A_279 = arith.cmpf oeq, %mul3A_250, %max3A_278 : vector<16xf32>
      %jit3A_280 = arith.constant 16 : i32
      %broadcast_in_dim3A_281 = vector.broadcast %jit3A_280 : i32 to vector<16xi32>
      %select_n3A_282 = arith.select %eq3A_279, %iota3A, %broadcast_in_dim3A_281 : vector<16xi1>, vector<16xi32>
      %xor3A_283 = arith.constant 8 : i32
      %xor3A_284 = vector.broadcast %xor3A_283 : i32 to vector<16xi32>
      %xor3A_285 = arith.xori %iota3A, %xor3A_284 : vector<16xi32>
      %broadcast_in_dim3A_286 = vector.shape_cast %xor3A_285 : vector<16xi32> to vector<16x1xi32>
      %gather3A_287 = vector.shape_cast %broadcast_in_dim3A_286 : vector<16x1xi32> to vector<16xi32>
      %gather3A_288 = tpu.dynamic_gather %select_n3A_282[%gather3A_287] in [0] : vector<16xi32>, vector<16xi32> -> vector<16xi32>
      %min3A_289 = arith.minsi %select_n3A_282, %gather3A_288 : vector<16xi32>
      %xor3A_290 = arith.constant 4 : i32
      %xor3A_291 = vector.broadcast %xor3A_290 : i32 to vector<16xi32>
      %xor3A_292 = arith.xori %iota3A, %xor3A_291 : vector<16xi32>
      %broadcast_in_dim3A_293 = vector.shape_cast %xor3A_292 : vector<16xi32> to vector<16x1xi32>
      %gather3A_294 = vector.shape_cast %broadcast_in_dim3A_293 : vector<16x1xi32> to vector<16xi32>
      %gather3A_295 = tpu.dynamic_gather %min3A_289[%gather3A_294] in [0] : vector<16xi32>, vector<16xi32> -> vector<16xi32>
      %min3A_296 = arith.minsi %min3A_289, %gather3A_295 : vector<16xi32>
      %xor3A_297 = arith.constant 2 : i32
      %xor3A_298 = vector.broadcast %xor3A_297 : i32 to vector<16xi32>
      %xor3A_299 = arith.xori %iota3A, %xor3A_298 : vector<16xi32>
      %broadcast_in_dim3A_300 = vector.shape_cast %xor3A_299 : vector<16xi32> to vector<16x1xi32>
      %gather3A_301 = vector.shape_cast %broadcast_in_dim3A_300 : vector<16x1xi32> to vector<16xi32>
      %gather3A_302 = tpu.dynamic_gather %min3A_296[%gather3A_301] in [0] : vector<16xi32>, vector<16xi32> -> vector<16xi32>
      %min3A_303 = arith.minsi %min3A_296, %gather3A_302 : vector<16xi32>
      %xor3A_304 = arith.constant 1 : i32
      %xor3A_305 = vector.broadcast %xor3A_304 : i32 to vector<16xi32>
      %xor3A_306 = arith.xori %iota3A, %xor3A_305 : vector<16xi32>
      %broadcast_in_dim3A_307 = vector.shape_cast %xor3A_306 : vector<16xi32> to vector<16x1xi32>
      %gather3A_308 = vector.shape_cast %broadcast_in_dim3A_307 : vector<16x1xi32> to vector<16xi32>
      %gather3A_309 = tpu.dynamic_gather %min3A_303[%gather3A_308] in [0] : vector<16xi32>, vector<16xi32> -> vector<16xi32>
      %min3A_310 = arith.minsi %min3A_303, %gather3A_309 : vector<16xi32>
      %eq3A_311 = arith.cmpi eq, %iota3A, %min3A_310 : vector<16xi32>
      %jit3A_312 = arith.constant -1.000000e+00 : f32
      %broadcast_in_dim3A_313 = vector.broadcast %jit3A_312 : f32 to vector<16xf32>
      %select_n3A_314 = arith.select %eq3A_311, %broadcast_in_dim3A_313, %mul3A_250 : vector<16xi1>, vector<16xf32>
      %xor3A_315 = arith.constant 8 : i32
      %xor3A_316 = vector.broadcast %xor3A_315 : i32 to vector<16xi32>
      %xor3A_317 = arith.xori %iota3A, %xor3A_316 : vector<16xi32>
      %broadcast_in_dim3A_318 = vector.shape_cast %xor3A_317 : vector<16xi32> to vector<16x1xi32>
      %gather3A_319 = vector.shape_cast %broadcast_in_dim3A_318 : vector<16x1xi32> to vector<16xi32>
      %gather3A_320 = tpu.dynamic_gather %select_n3A_314[%gather3A_319] in [0] : vector<16xf32>, vector<16xi32> -> vector<16xf32>
      %max3A_321 = arith.maximumf %select_n3A_314, %gather3A_320 : vector<16xf32>
      %xor3A_322 = arith.constant 4 : i32
      %xor3A_323 = vector.broadcast %xor3A_322 : i32 to vector<16xi32>
      %xor3A_324 = arith.xori %iota3A, %xor3A_323 : vector<16xi32>
      %broadcast_in_dim3A_325 = vector.shape_cast %xor3A_324 : vector<16xi32> to vector<16x1xi32>
      %gather3A_326 = vector.shape_cast %broadcast_in_dim3A_325 : vector<16x1xi32> to vector<16xi32>
      %gather3A_327 = tpu.dynamic_gather %max3A_321[%gather3A_326] in [0] : vector<16xf32>, vector<16xi32> -> vector<16xf32>
      %max3A_328 = arith.maximumf %max3A_321, %gather3A_327 : vector<16xf32>
      %xor3A_329 = arith.constant 2 : i32
      %xor3A_330 = vector.broadcast %xor3A_329 : i32 to vector<16xi32>
      %xor3A_331 = arith.xori %iota3A, %xor3A_330 : vector<16xi32>
      %broadcast_in_dim3A_332 = vector.shape_cast %xor3A_331 : vector<16xi32> to vector<16x1xi32>
      %gather3A_333 = vector.shape_cast %broadcast_in_dim3A_332 : vector<16x1xi32> to vector<16xi32>
      %gather3A_334 = tpu.dynamic_gather %max3A_328[%gather3A_333] in [0] : vector<16xf32>, vector<16xi32> -> vector<16xf32>
      %max3A_335 = arith.maximumf %max3A_328, %gather3A_334 : vector<16xf32>
      %xor3A_336 = arith.constant 1 : i32
      %xor3A_337 = vector.broadcast %xor3A_336 : i32 to vector<16xi32>
      %xor3A_338 = arith.xori %iota3A, %xor3A_337 : vector<16xi32>
      %broadcast_in_dim3A_339 = vector.shape_cast %xor3A_338 : vector<16xi32> to vector<16x1xi32>
      %gather3A_340 = vector.shape_cast %broadcast_in_dim3A_339 : vector<16x1xi32> to vector<16xi32>
      %gather3A_341 = tpu.dynamic_gather %max3A_335[%gather3A_340] in [0] : vector<16xf32>, vector<16xi32> -> vector<16xf32>
      %max3A_342 = arith.maximumf %max3A_335, %gather3A_341 : vector<16xf32>
      %eq3A_343 = arith.cmpf oeq, %select_n3A_314, %max3A_342 : vector<16xf32>
      %jit3A_344 = arith.constant 16 : i32
      %broadcast_in_dim3A_345 = vector.broadcast %jit3A_344 : i32 to vector<16xi32>
      %select_n3A_346 = arith.select %eq3A_343, %iota3A, %broadcast_in_dim3A_345 : vector<16xi1>, vector<16xi32>
      %xor3A_347 = arith.constant 8 : i32
      %xor3A_348 = vector.broadcast %xor3A_347 : i32 to vector<16xi32>
      %xor3A_349 = arith.xori %iota3A, %xor3A_348 : vector<16xi32>
      %broadcast_in_dim3A_350 = vector.shape_cast %xor3A_349 : vector<16xi32> to vector<16x1xi32>
      %gather3A_351 = vector.shape_cast %broadcast_in_dim3A_350 : vector<16x1xi32> to vector<16xi32>
      %gather3A_352 = tpu.dynamic_gather %select_n3A_346[%gather3A_351] in [0] : vector<16xi32>, vector<16xi32> -> vector<16xi32>
      %min3A_353 = arith.minsi %select_n3A_346, %gather3A_352 : vector<16xi32>
      %xor3A_354 = arith.constant 4 : i32
      %xor3A_355 = vector.broadcast %xor3A_354 : i32 to vector<16xi32>
      %xor3A_356 = arith.xori %iota3A, %xor3A_355 : vector<16xi32>
      %broadcast_in_dim3A_357 = vector.shape_cast %xor3A_356 : vector<16xi32> to vector<16x1xi32>
      %gather3A_358 = vector.shape_cast %broadcast_in_dim3A_357 : vector<16x1xi32> to vector<16xi32>
      %gather3A_359 = tpu.dynamic_gather %min3A_353[%gather3A_358] in [0] : vector<16xi32>, vector<16xi32> -> vector<16xi32>
      %min3A_360 = arith.minsi %min3A_353, %gather3A_359 : vector<16xi32>
      %xor3A_361 = arith.constant 2 : i32
      %xor3A_362 = vector.broadcast %xor3A_361 : i32 to vector<16xi32>
      %xor3A_363 = arith.xori %iota3A, %xor3A_362 : vector<16xi32>
      %broadcast_in_dim3A_364 = vector.shape_cast %xor3A_363 : vector<16xi32> to vector<16x1xi32>
      %gather3A_365 = vector.shape_cast %broadcast_in_dim3A_364 : vector<16x1xi32> to vector<16xi32>
      %gather3A_366 = tpu.dynamic_gather %min3A_360[%gather3A_365] in [0] : vector<16xi32>, vector<16xi32> -> vector<16xi32>
      %min3A_367 = arith.minsi %min3A_360, %gather3A_366 : vector<16xi32>
      %xor3A_368 = arith.constant 1 : i32
      %xor3A_369 = vector.broadcast %xor3A_368 : i32 to vector<16xi32>
      %xor3A_370 = arith.xori %iota3A, %xor3A_369 : vector<16xi32>
      %broadcast_in_dim3A_371 = vector.shape_cast %xor3A_370 : vector<16xi32> to vector<16x1xi32>
      %gather3A_372 = vector.shape_cast %broadcast_in_dim3A_371 : vector<16x1xi32> to vector<16xi32>
      %gather3A_373 = tpu.dynamic_gather %min3A_367[%gather3A_372] in [0] : vector<16xi32>, vector<16xi32> -> vector<16xi32>
      %min3A_374 = arith.minsi %min3A_367, %gather3A_373 : vector<16xi32>
      %eq3A_375 = arith.constant 2 : i32
      %eq3A_376 = vector.broadcast %eq3A_375 : i32 to vector<16xi32>
      %eq3A_377 = arith.cmpi eq, %iota3A, %eq3A_376 : vector<16xi32>
      %select_n3A_378 = arith.select %eq3A_377, %min3A_310, %select_n3A_193 : vector<16xi1>, vector<16xi32>
      %eq3A_379 = arith.constant 3 : i32
      %eq3A_380 = vector.broadcast %eq3A_379 : i32 to vector<16xi32>
      %eq3A_381 = arith.cmpi eq, %iota3A, %eq3A_380 : vector<16xi32>
      %select_n3A_382 = arith.select %eq3A_381, %min3A_374, %select_n3A_378 : vector<16xi1>, vector<16xi32>
      %add3A_383 = arith.constant 2 : i32
      %add3A_384 = arith.addi %mul3A_15, %add3A_383 : i32
      %mul3A_385 = arith.constant 9 : i32
      %mul3A_386 = arith.muli %add3A_384, %mul3A_385 : i32
      %get3A_387 = arith.index_cast %mul3A_386 : i32 to index
      %get3A_388 = tpu.vector_load %arg5[%get3A_387] {strides = array<i32>} : memref<944xf32, #tpu.memory_space<vmem>>, vector<16xf32>,
      %get3A_389 = vector.shape_cast %get3A_388 : vector<16xf32> to vector<16xf32>
      %lt3A_390 = arith.constant 9 : i32
      %lt3A_391 = vector.broadcast %lt3A_390 : i32 to vector<16xi32>
      %lt3A_392 = arith.cmpi slt, %iota3A, %lt3A_391 : vector<16xi32>
      %jit3A_393 = arith.constant 0.000000e+00 : f32
      %broadcast_in_dim3A_394 = vector.broadcast %jit3A_393 : f32 to vector<16xf32>
      %select_n3A_395 = arith.select %lt3A_392, %get3A_389, %broadcast_in_dim3A_394 : vector<16xi1>, vector<16xf32>
      %get3A_396 = arith.constant 64 : index
      %get3A_397 = tpu.vector_load %arg6[%get3A_396] {strides = array<i32>} : memref<256xf32, #tpu.memory_space<vmem>>, vector<16xf32>,
      %get3A_398 = vector.shape_cast %get3A_397 : vector<16xf32> to vector<16xf32>
      %get3A_399 = arith.constant 80 : index
      %get3A_400 = tpu.vector_load %arg6[%get3A_399] {strides = array<i32>} : memref<256xf32, #tpu.memory_space<vmem>>, vector<16xf32>,
      %get3A_401 = vector.shape_cast %get3A_400 : vector<16xf32> to vector<16xf32>
      %add3A_402 = arith.addf %select_n3A_395, %get3A_398 : vector<16xf32>
      %div3A_403 = arith.constant 5.000000e-01 : f32
      %div3A_404 = vector.broadcast %div3A_403 : f32 to vector<16xf32>
      %div3A_405 = arith.divf %add3A_402, %div3A_404 : vector<16xf32>
      %exp3A_406 = math.exp %div3A_405 : vector<16xf32>
      %xor3A_407 = arith.constant 8 : i32
      %xor3A_408 = vector.broadcast %xor3A_407 : i32 to vector<16xi32>
      %xor3A_409 = arith.xori %iota3A, %xor3A_408 : vector<16xi32>
      %broadcast_in_dim3A_410 = vector.shape_cast %xor3A_409 : vector<16xi32> to vector<16x1xi32>
      %gather3A_411 = vector.shape_cast %broadcast_in_dim3A_410 : vector<16x1xi32> to vector<16xi32>
      %gather3A_412 = tpu.dynamic_gather %exp3A_406[%gather3A_411] in [0] : vector<16xf32>, vector<16xi32> -> vector<16xf32>
      %add3A_413 = arith.addf %exp3A_406, %gather3A_412 : vector<16xf32>
      %xor3A_414 = arith.constant 4 : i32
      %xor3A_415 = vector.broadcast %xor3A_414 : i32 to vector<16xi32>
      %xor3A_416 = arith.xori %iota3A, %xor3A_415 : vector<16xi32>
      %broadcast_in_dim3A_417 = vector.shape_cast %xor3A_416 : vector<16xi32> to vector<16x1xi32>
      %gather3A_418 = vector.shape_cast %broadcast_in_dim3A_417 : vector<16x1xi32> to vector<16xi32>
      %gather3A_419 = tpu.dynamic_gather %add3A_413[%gather3A_418] in [0] : vector<16xf32>, vector<16xi32> -> vector<16xf32>
      %add3A_420 = arith.addf %add3A_413, %gather3A_419 : vector<16xf32>
      %xor3A_421 = arith.constant 2 : i32
      %xor3A_422 = vector.broadcast %xor3A_421 : i32 to vector<16xi32>
      %xor3A_423 = arith.xori %iota3A, %xor3A_422 : vector<16xi32>
      %broadcast_in_dim3A_424 = vector.shape_cast %xor3A_423 : vector<16xi32> to vector<16x1xi32>
      %gather3A_425 = vector.shape_cast %broadcast_in_dim3A_424 : vector<16x1xi32> to vector<16xi32>
      %gather3A_426 = tpu.dynamic_gather %add3A_420[%gather3A_425] in [0] : vector<16xf32>, vector<16xi32> -> vector<16xf32>
      %add3A_427 = arith.addf %add3A_420, %gather3A_426 : vector<16xf32>
      %xor3A_428 = arith.constant 1 : i32
      %xor3A_429 = vector.broadcast %xor3A_428 : i32 to vector<16xi32>
      %xor3A_430 = arith.xori %iota3A, %xor3A_429 : vector<16xi32>
      %broadcast_in_dim3A_431 = vector.shape_cast %xor3A_430 : vector<16xi32> to vector<16x1xi32>
      %gather3A_432 = vector.shape_cast %broadcast_in_dim3A_431 : vector<16x1xi32> to vector<16xi32>
      %gather3A_433 = tpu.dynamic_gather %add3A_427[%gather3A_432] in [0] : vector<16xf32>, vector<16xi32> -> vector<16xf32>
      %add3A_434 = arith.addf %add3A_427, %gather3A_433 : vector<16xf32>
      %div3A_435 = arith.divf %exp3A_406, %add3A_434 : vector<16xf32>
      %add3A_436 = arith.constant 1.000000e-07 : f32
      %add3A_437 = vector.broadcast %add3A_436 : f32 to vector<16xf32>
      %add3A_438 = arith.addf %div3A_435, %add3A_437 : vector<16xf32>
      %mul3A_439 = arith.mulf %add3A_438, %get3A_401 : vector<16xf32>
      %xor3A_440 = arith.constant 8 : i32
      %xor3A_441 = vector.broadcast %xor3A_440 : i32 to vector<16xi32>
      %xor3A_442 = arith.xori %iota3A, %xor3A_441 : vector<16xi32>
      %broadcast_in_dim3A_443 = vector.shape_cast %xor3A_442 : vector<16xi32> to vector<16x1xi32>
      %gather3A_444 = vector.shape_cast %broadcast_in_dim3A_443 : vector<16x1xi32> to vector<16xi32>
      %gather3A_445 = tpu.dynamic_gather %mul3A_439[%gather3A_444] in [0] : vector<16xf32>, vector<16xi32> -> vector<16xf32>
      %max3A_446 = arith.maximumf %mul3A_439, %gather3A_445 : vector<16xf32>
      %xor3A_447 = arith.constant 4 : i32
      %xor3A_448 = vector.broadcast %xor3A_447 : i32 to vector<16xi32>
      %xor3A_449 = arith.xori %iota3A, %xor3A_448 : vector<16xi32>
      %broadcast_in_dim3A_450 = vector.shape_cast %xor3A_449 : vector<16xi32> to vector<16x1xi32>
      %gather3A_451 = vector.shape_cast %broadcast_in_dim3A_450 : vector<16x1xi32> to vector<16xi32>
      %gather3A_452 = tpu.dynamic_gather %max3A_446[%gather3A_451] in [0] : vector<16xf32>, vector<16xi32> -> vector<16xf32>
      %max3A_453 = arith.maximumf %max3A_446, %gather3A_452 : vector<16xf32>
      %xor3A_454 = arith.constant 2 : i32
      %xor3A_455 = vector.broadcast %xor3A_454 : i32 to vector<16xi32>
      %xor3A_456 = arith.xori %iota3A, %xor3A_455 : vector<16xi32>
      %broadcast_in_dim3A_457 = vector.shape_cast %xor3A_456 : vector<16xi32> to vector<16x1xi32>
      %gather3A_458 = vector.shape_cast %broadcast_in_dim3A_457 : vector<16x1xi32> to vector<16xi32>
      %gather3A_459 = tpu.dynamic_gather %max3A_453[%gather3A_458] in [0] : vector<16xf32>, vector<16xi32> -> vector<16xf32>
      %max3A_460 = arith.maximumf %max3A_453, %gather3A_459 : vector<16xf32>
      %xor3A_461 = arith.constant 1 : i32
      %xor3A_462 = vector.broadcast %xor3A_461 : i32 to vector<16xi32>
      %xor3A_463 = arith.xori %iota3A, %xor3A_462 : vector<16xi32>
      %broadcast_in_dim3A_464 = vector.shape_cast %xor3A_463 : vector<16xi32> to vector<16x1xi32>
      %gather3A_465 = vector.shape_cast %broadcast_in_dim3A_464 : vector<16x1xi32> to vector<16xi32>
      %gather3A_466 = tpu.dynamic_gather %max3A_460[%gather3A_465] in [0] : vector<16xf32>, vector<16xi32> -> vector<16xf32>
      %max3A_467 = arith.maximumf %max3A_460, %gather3A_466 : vector<16xf32>
      %eq3A_468 = arith.cmpf oeq, %mul3A_439, %max3A_467 : vector<16xf32>
      %jit3A_469 = arith.constant 16 : i32
      %broadcast_in_dim3A_470 = vector.broadcast %jit3A_469 : i32 to vector<16xi32>
      %select_n3A_471 = arith.select %eq3A_468, %iota3A, %broadcast_in_dim3A_470 : vector<16xi1>, vector<16xi32>
      %xor3A_472 = arith.constant 8 : i32
      %xor3A_473 = vector.broadcast %xor3A_472 : i32 to vector<16xi32>
      %xor3A_474 = arith.xori %iota3A, %xor3A_473 : vector<16xi32>
      %broadcast_in_dim3A_475 = vector.shape_cast %xor3A_474 : vector<16xi32> to vector<16x1xi32>
      %gather3A_476 = vector.shape_cast %broadcast_in_dim3A_475 : vector<16x1xi32> to vector<16xi32>
      %gather3A_477 = tpu.dynamic_gather %select_n3A_471[%gather3A_476] in [0] : vector<16xi32>, vector<16xi32> -> vector<16xi32>
      %min3A_478 = arith.minsi %select_n3A_471, %gather3A_477 : vector<16xi32>
      %xor3A_479 = arith.constant 4 : i32
      %xor3A_480 = vector.broadcast %xor3A_479 : i32 to vector<16xi32>
      %xor3A_481 = arith.xori %iota3A, %xor3A_480 : vector<16xi32>
      %broadcast_in_dim3A_482 = vector.shape_cast %xor3A_481 : vector<16xi32> to vector<16x1xi32>
      %gather3A_483 = vector.shape_cast %broadcast_in_dim3A_482 : vector<16x1xi32> to vector<16xi32>
      %gather3A_484 = tpu.dynamic_gather %min3A_478[%gather3A_483] in [0] : vector<16xi32>, vector<16xi32> -> vector<16xi32>
      %min3A_485 = arith.minsi %min3A_478, %gather3A_484 : vector<16xi32>
      %xor3A_486 = arith.constant 2 : i32
      %xor3A_487 = vector.broadcast %xor3A_486 : i32 to vector<16xi32>
      %xor3A_488 = arith.xori %iota3A, %xor3A_487 : vector<16xi32>
      %broadcast_in_dim3A_489 = vector.shape_cast %xor3A_488 : vector<16xi32> to vector<16x1xi32>
      %gather3A_490 = vector.shape_cast %broadcast_in_dim3A_489 : vector<16x1xi32> to vector<16xi32>
      %gather3A_491 = tpu.dynamic_gather %min3A_485[%gather3A_490] in [0] : vector<16xi32>, vector<16xi32> -> vector<16xi32>
      %min3A_492 = arith.minsi %min3A_485, %gather3A_491 : vector<16xi32>
      %xor3A_493 = arith.constant 1 : i32
      %xor3A_494 = vector.broadcast %xor3A_493 : i32 to vector<16xi32>
      %xor3A_495 = arith.xori %iota3A, %xor3A_494 : vector<16xi32>
      %broadcast_in_dim3A_496 = vector.shape_cast %xor3A_495 : vector<16xi32> to vector<16x1xi32>
      %gather3A_497 = vector.shape_cast %broadcast_in_dim3A_496 : vector<16x1xi32> to vector<16xi32>
      %gather3A_498 = tpu.dynamic_gather %min3A_492[%gather3A_497] in [0] : vector<16xi32>, vector<16xi32> -> vector<16xi32>
      %min3A_499 = arith.minsi %min3A_492, %gather3A_498 : vector<16xi32>
      %eq3A_500 = arith.cmpi eq, %iota3A, %min3A_499 : vector<16xi32>
      %jit3A_501 = arith.constant -1.000000e+00 : f32
      %broadcast_in_dim3A_502 = vector.broadcast %jit3A_501 : f32 to vector<16xf32>
      %select_n3A_503 = arith.select %eq3A_500, %broadcast_in_dim3A_502, %mul3A_439 : vector<16xi1>, vector<16xf32>
      %xor3A_504 = arith.constant 8 : i32
      %xor3A_505 = vector.broadcast %xor3A_504 : i32 to vector<16xi32>
      %xor3A_506 = arith.xori %iota3A, %xor3A_505 : vector<16xi32>
      %broadcast_in_dim3A_507 = vector.shape_cast %xor3A_506 : vector<16xi32> to vector<16x1xi32>
      %gather3A_508 = vector.shape_cast %broadcast_in_dim3A_507 : vector<16x1xi32> to vector<16xi32>
      %gather3A_509 = tpu.dynamic_gather %select_n3A_503[%gather3A_508] in [0] : vector<16xf32>, vector<16xi32> -> vector<16xf32>
      %max3A_510 = arith.maximumf %select_n3A_503, %gather3A_509 : vector<16xf32>
      %xor3A_511 = arith.constant 4 : i32
      %xor3A_512 = vector.broadcast %xor3A_511 : i32 to vector<16xi32>
      %xor3A_513 = arith.xori %iota3A, %xor3A_512 : vector<16xi32>
      %broadcast_in_dim3A_514 = vector.shape_cast %xor3A_513 : vector<16xi32> to vector<16x1xi32>
      %gather3A_515 = vector.shape_cast %broadcast_in_dim3A_514 : vector<16x1xi32> to vector<16xi32>
      %gather3A_516 = tpu.dynamic_gather %max3A_510[%gather3A_515] in [0] : vector<16xf32>, vector<16xi32> -> vector<16xf32>
      %max3A_517 = arith.maximumf %max3A_510, %gather3A_516 : vector<16xf32>
      %xor3A_518 = arith.constant 2 : i32
      %xor3A_519 = vector.broadcast %xor3A_518 : i32 to vector<16xi32>
      %xor3A_520 = arith.xori %iota3A, %xor3A_519 : vector<16xi32>
      %broadcast_in_dim3A_521 = vector.shape_cast %xor3A_520 : vector<16xi32> to vector<16x1xi32>
      %gather3A_522 = vector.shape_cast %broadcast_in_dim3A_521 : vector<16x1xi32> to vector<16xi32>
      %gather3A_523 = tpu.dynamic_gather %max3A_517[%gather3A_522] in [0] : vector<16xf32>, vector<16xi32> -> vector<16xf32>
      %max3A_524 = arith.maximumf %max3A_517, %gather3A_523 : vector<16xf32>
      %xor3A_525 = arith.constant 1 : i32
      %xor3A_526 = vector.broadcast %xor3A_525 : i32 to vector<16xi32>
      %xor3A_527 = arith.xori %iota3A, %xor3A_526 : vector<16xi32>
      %broadcast_in_dim3A_528 = vector.shape_cast %xor3A_527 : vector<16xi32> to vector<16x1xi32>
      %gather3A_529 = vector.shape_cast %broadcast_in_dim3A_528 : vector<16x1xi32> to vector<16xi32>
      %gather3A_530 = tpu.dynamic_gather %max3A_524[%gather3A_529] in [0] : vector<16xf32>, vector<16xi32> -> vector<16xf32>
      %max3A_531 = arith.maximumf %max3A_524, %gather3A_530 : vector<16xf32>
      %eq3A_532 = arith.cmpf oeq, %select_n3A_503, %max3A_531 : vector<16xf32>
      %jit3A_533 = arith.constant 16 : i32
      %broadcast_in_dim3A_534 = vector.broadcast %jit3A_533 : i32 to vector<16xi32>
      %select_n3A_535 = arith.select %eq3A_532, %iota3A, %broadcast_in_dim3A_534 : vector<16xi1>, vector<16xi32>
      %xor3A_536 = arith.constant 8 : i32
      %xor3A_537 = vector.broadcast %xor3A_536 : i32 to vector<16xi32>
      %xor3A_538 = arith.xori %iota3A, %xor3A_537 : vector<16xi32>
      %broadcast_in_dim3A_539 = vector.shape_cast %xor3A_538 : vector<16xi32> to vector<16x1xi32>
      %gather3A_540 = vector.shape_cast %broadcast_in_dim3A_539 : vector<16x1xi32> to vector<16xi32>
      %gather3A_541 = tpu.dynamic_gather %select_n3A_535[%gather3A_540] in [0] : vector<16xi32>, vector<16xi32> -> vector<16xi32>
      %min3A_542 = arith.minsi %select_n3A_535, %gather3A_541 : vector<16xi32>
      %xor3A_543 = arith.constant 4 : i32
      %xor3A_544 = vector.broadcast %xor3A_543 : i32 to vector<16xi32>
      %xor3A_545 = arith.xori %iota3A, %xor3A_544 : vector<16xi32>
      %broadcast_in_dim3A_546 = vector.shape_cast %xor3A_545 : vector<16xi32> to vector<16x1xi32>
      %gather3A_547 = vector.shape_cast %broadcast_in_dim3A_546 : vector<16x1xi32> to vector<16xi32>
      %gather3A_548 = tpu.dynamic_gather %min3A_542[%gather3A_547] in [0] : vector<16xi32>, vector<16xi32> -> vector<16xi32>
      %min3A_549 = arith.minsi %min3A_542, %gather3A_548 : vector<16xi32>
      %xor3A_550 = arith.constant 2 : i32
      %xor3A_551 = vector.broadcast %xor3A_550 : i32 to vector<16xi32>
      %xor3A_552 = arith.xori %iota3A, %xor3A_551 : vector<16xi32>
      %broadcast_in_dim3A_553 = vector.shape_cast %xor3A_552 : vector<16xi32> to vector<16x1xi32>
      %gather3A_554 = vector.shape_cast %broadcast_in_dim3A_553 : vector<16x1xi32> to vector<16xi32>
      %gather3A_555 = tpu.dynamic_gather %min3A_549[%gather3A_554] in [0] : vector<16xi32>, vector<16xi32> -> vector<16xi32>
      %min3A_556 = arith.minsi %min3A_549, %gather3A_555 : vector<16xi32>
      %xor3A_557 = arith.constant 1 : i32
      %xor3A_558 = vector.broadcast %xor3A_557 : i32 to vector<16xi32>
      %xor3A_559 = arith.xori %iota3A, %xor3A_558 : vector<16xi32>
      %broadcast_in_dim3A_560 = vector.shape_cast %xor3A_559 : vector<16xi32> to vector<16x1xi32>
      %gather3A_561 = vector.shape_cast %broadcast_in_dim3A_560 : vector<16x1xi32> to vector<16xi32>
      %gather3A_562 = tpu.dynamic_gather %min3A_556[%gather3A_561] in [0] : vector<16xi32>, vector<16xi32> -> vector<16xi32>
      %min3A_563 = arith.minsi %min3A_556, %gather3A_562 : vector<16xi32>
      %eq3A_564 = arith.constant 4 : i32
      %eq3A_565 = vector.broadcast %eq3A_564 : i32 to vector<16xi32>
      %eq3A_566 = arith.cmpi eq, %iota3A, %eq3A_565 : vector<16xi32>
      %select_n3A_567 = arith.select %eq3A_566, %min3A_499, %select_n3A_382 : vector<16xi1>, vector<16xi32>
      %eq3A_568 = arith.constant 5 : i32
      %eq3A_569 = vector.broadcast %eq3A_568 : i32 to vector<16xi32>
      %eq3A_570 = arith.cmpi eq, %iota3A, %eq3A_569 : vector<16xi32>
      %select_n3A_571 = arith.select %eq3A_570, %min3A_563, %select_n3A_567 : vector<16xi1>, vector<16xi32>
      %add3A_572 = arith.constant 3 : i32
      %add3A_573 = arith.addi %mul3A_15, %add3A_572 : i32
      %mul3A_574 = arith.constant 9 : i32
      %mul3A_575 = arith.muli %add3A_573, %mul3A_574 : i32
      %get3A_576 = arith.index_cast %mul3A_575 : i32 to index
      %get3A_577 = tpu.vector_load %arg5[%get3A_576] {strides = array<i32>} : memref<944xf32, #tpu.memory_space<vmem>>, vector<16xf32>,
      %get3A_578 = vector.shape_cast %get3A_577 : vector<16xf32> to vector<16xf32>
      %lt3A_579 = arith.constant 9 : i32
      %lt3A_580 = vector.broadcast %lt3A_579 : i32 to vector<16xi32>
      %lt3A_581 = arith.cmpi slt, %iota3A, %lt3A_580 : vector<16xi32>
      %jit3A_582 = arith.constant 0.000000e+00 : f32
      %broadcast_in_dim3A_583 = vector.broadcast %jit3A_582 : f32 to vector<16xf32>
      %select_n3A_584 = arith.select %lt3A_581, %get3A_578, %broadcast_in_dim3A_583 : vector<16xi1>, vector<16xf32>
      %get3A_585 = arith.constant 96 : index
      %get3A_586 = tpu.vector_load %arg6[%get3A_585] {strides = array<i32>} : memref<256xf32, #tpu.memory_space<vmem>>, vector<16xf32>,
      %get3A_587 = vector.shape_cast %get3A_586 : vector<16xf32> to vector<16xf32>
      %get3A_588 = arith.constant 112 : index
      %get3A_589 = tpu.vector_load %arg6[%get3A_588] {strides = array<i32>} : memref<256xf32, #tpu.memory_space<vmem>>, vector<16xf32>,
      %get3A_590 = vector.shape_cast %get3A_589 : vector<16xf32> to vector<16xf32>
      %add3A_591 = arith.addf %select_n3A_584, %get3A_587 : vector<16xf32>
      %div3A_592 = arith.constant 5.000000e-01 : f32
      %div3A_593 = vector.broadcast %div3A_592 : f32 to vector<16xf32>
      %div3A_594 = arith.divf %add3A_591, %div3A_593 : vector<16xf32>
      %exp3A_595 = math.exp %div3A_594 : vector<16xf32>
      %xor3A_596 = arith.constant 8 : i32
      %xor3A_597 = vector.broadcast %xor3A_596 : i32 to vector<16xi32>
      %xor3A_598 = arith.xori %iota3A, %xor3A_597 : vector<16xi32>
      %broadcast_in_dim3A_599 = vector.shape_cast %xor3A_598 : vector<16xi32> to vector<16x1xi32>
      %gather3A_600 = vector.shape_cast %broadcast_in_dim3A_599 : vector<16x1xi32> to vector<16xi32>
      %gather3A_601 = tpu.dynamic_gather %exp3A_595[%gather3A_600] in [0] : vector<16xf32>, vector<16xi32> -> vector<16xf32>
      %add3A_602 = arith.addf %exp3A_595, %gather3A_601 : vector<16xf32>
      %xor3A_603 = arith.constant 4 : i32
      %xor3A_604 = vector.broadcast %xor3A_603 : i32 to vector<16xi32>
      %xor3A_605 = arith.xori %iota3A, %xor3A_604 : vector<16xi32>
      %broadcast_in_dim3A_606 = vector.shape_cast %xor3A_605 : vector<16xi32> to vector<16x1xi32>
      %gather3A_607 = vector.shape_cast %broadcast_in_dim3A_606 : vector<16x1xi32> to vector<16xi32>
      %gather3A_608 = tpu.dynamic_gather %add3A_602[%gather3A_607] in [0] : vector<16xf32>, vector<16xi32> -> vector<16xf32>
      %add3A_609 = arith.addf %add3A_602, %gather3A_608 : vector<16xf32>
      %xor3A_610 = arith.constant 2 : i32
      %xor3A_611 = vector.broadcast %xor3A_610 : i32 to vector<16xi32>
      %xor3A_612 = arith.xori %iota3A, %xor3A_611 : vector<16xi32>
      %broadcast_in_dim3A_613 = vector.shape_cast %xor3A_612 : vector<16xi32> to vector<16x1xi32>
      %gather3A_614 = vector.shape_cast %broadcast_in_dim3A_613 : vector<16x1xi32> to vector<16xi32>
      %gather3A_615 = tpu.dynamic_gather %add3A_609[%gather3A_614] in [0] : vector<16xf32>, vector<16xi32> -> vector<16xf32>
      %add3A_616 = arith.addf %add3A_609, %gather3A_615 : vector<16xf32>
      %xor3A_617 = arith.constant 1 : i32
      %xor3A_618 = vector.broadcast %xor3A_617 : i32 to vector<16xi32>
      %xor3A_619 = arith.xori %iota3A, %xor3A_618 : vector<16xi32>
      %broadcast_in_dim3A_620 = vector.shape_cast %xor3A_619 : vector<16xi32> to vector<16x1xi32>
      %gather3A_621 = vector.shape_cast %broadcast_in_dim3A_620 : vector<16x1xi32> to vector<16xi32>
      %gather3A_622 = tpu.dynamic_gather %add3A_616[%gather3A_621] in [0] : vector<16xf32>, vector<16xi32> -> vector<16xf32>
      %add3A_623 = arith.addf %add3A_616, %gather3A_622 : vector<16xf32>
      %div3A_624 = arith.divf %exp3A_595, %add3A_623 : vector<16xf32>
      %add3A_625 = arith.constant 1.000000e-07 : f32
      %add3A_626 = vector.broadcast %add3A_625 : f32 to vector<16xf32>
      %add3A_627 = arith.addf %div3A_624, %add3A_626 : vector<16xf32>
      %mul3A_628 = arith.mulf %add3A_627, %get3A_590 : vector<16xf32>
      %xor3A_629 = arith.constant 8 : i32
      %xor3A_630 = vector.broadcast %xor3A_629 : i32 to vector<16xi32>
      %xor3A_631 = arith.xori %iota3A, %xor3A_630 : vector<16xi32>
      %broadcast_in_dim3A_632 = vector.shape_cast %xor3A_631 : vector<16xi32> to vector<16x1xi32>
      %gather3A_633 = vector.shape_cast %broadcast_in_dim3A_632 : vector<16x1xi32> to vector<16xi32>
      %gather3A_634 = tpu.dynamic_gather %mul3A_628[%gather3A_633] in [0] : vector<16xf32>, vector<16xi32> -> vector<16xf32>
      %max3A_635 = arith.maximumf %mul3A_628, %gather3A_634 : vector<16xf32>
      %xor3A_636 = arith.constant 4 : i32
      %xor3A_637 = vector.broadcast %xor3A_636 : i32 to vector<16xi32>
      %xor3A_638 = arith.xori %iota3A, %xor3A_637 : vector<16xi32>
      %broadcast_in_dim3A_639 = vector.shape_cast %xor3A_638 : vector<16xi32> to vector<16x1xi32>
      %gather3A_640 = vector.shape_cast %broadcast_in_dim3A_639 : vector<16x1xi32> to vector<16xi32>
      %gather3A_641 = tpu.dynamic_gather %max3A_635[%gather3A_640] in [0] : vector<16xf32>, vector<16xi32> -> vector<16xf32>
      %max3A_642 = arith.maximumf %max3A_635, %gather3A_641 : vector<16xf32>
      %xor3A_643 = arith.constant 2 : i32
      %xor3A_644 = vector.broadcast %xor3A_643 : i32 to vector<16xi32>
      %xor3A_645 = arith.xori %iota3A, %xor3A_644 : vector<16xi32>
      %broadcast_in_dim3A_646 = vector.shape_cast %xor3A_645 : vector<16xi32> to vector<16x1xi32>
      %gather3A_647 = vector.shape_cast %broadcast_in_dim3A_646 : vector<16x1xi32> to vector<16xi32>
      %gather3A_648 = tpu.dynamic_gather %max3A_642[%gather3A_647] in [0] : vector<16xf32>, vector<16xi32> -> vector<16xf32>
      %max3A_649 = arith.maximumf %max3A_642, %gather3A_648 : vector<16xf32>
      %xor3A_650 = arith.constant 1 : i32
      %xor3A_651 = vector.broadcast %xor3A_650 : i32 to vector<16xi32>
      %xor3A_652 = arith.xori %iota3A, %xor3A_651 : vector<16xi32>
      %broadcast_in_dim3A_653 = vector.shape_cast %xor3A_652 : vector<16xi32> to vector<16x1xi32>
      %gather3A_654 = vector.shape_cast %broadcast_in_dim3A_653 : vector<16x1xi32> to vector<16xi32>
      %gather3A_655 = tpu.dynamic_gather %max3A_649[%gather3A_654] in [0] : vector<16xf32>, vector<16xi32> -> vector<16xf32>
      %max3A_656 = arith.maximumf %max3A_649, %gather3A_655 : vector<16xf32>
      %eq3A_657 = arith.cmpf oeq, %mul3A_628, %max3A_656 : vector<16xf32>
      %jit3A_658 = arith.constant 16 : i32
      %broadcast_in_dim3A_659 = vector.broadcast %jit3A_658 : i32 to vector<16xi32>
      %select_n3A_660 = arith.select %eq3A_657, %iota3A, %broadcast_in_dim3A_659 : vector<16xi1>, vector<16xi32>
      %xor3A_661 = arith.constant 8 : i32
      %xor3A_662 = vector.broadcast %xor3A_661 : i32 to vector<16xi32>
      %xor3A_663 = arith.xori %iota3A, %xor3A_662 : vector<16xi32>
      %broadcast_in_dim3A_664 = vector.shape_cast %xor3A_663 : vector<16xi32> to vector<16x1xi32>
      %gather3A_665 = vector.shape_cast %broadcast_in_dim3A_664 : vector<16x1xi32> to vector<16xi32>
      %gather3A_666 = tpu.dynamic_gather %select_n3A_660[%gather3A_665] in [0] : vector<16xi32>, vector<16xi32> -> vector<16xi32>
      %min3A_667 = arith.minsi %select_n3A_660, %gather3A_666 : vector<16xi32>
      %xor3A_668 = arith.constant 4 : i32
      %xor3A_669 = vector.broadcast %xor3A_668 : i32 to vector<16xi32>
      %xor3A_670 = arith.xori %iota3A, %xor3A_669 : vector<16xi32>
      %broadcast_in_dim3A_671 = vector.shape_cast %xor3A_670 : vector<16xi32> to vector<16x1xi32>
      %gather3A_672 = vector.shape_cast %broadcast_in_dim3A_671 : vector<16x1xi32> to vector<16xi32>
      %gather3A_673 = tpu.dynamic_gather %min3A_667[%gather3A_672] in [0] : vector<16xi32>, vector<16xi32> -> vector<16xi32>
      %min3A_674 = arith.minsi %min3A_667, %gather3A_673 : vector<16xi32>
      %xor3A_675 = arith.constant 2 : i32
      %xor3A_676 = vector.broadcast %xor3A_675 : i32 to vector<16xi32>
      %xor3A_677 = arith.xori %iota3A, %xor3A_676 : vector<16xi32>
      %broadcast_in_dim3A_678 = vector.shape_cast %xor3A_677 : vector<16xi32> to vector<16x1xi32>
      %gather3A_679 = vector.shape_cast %broadcast_in_dim3A_678 : vector<16x1xi32> to vector<16xi32>
      %gather3A_680 = tpu.dynamic_gather %min3A_674[%gather3A_679] in [0] : vector<16xi32>, vector<16xi32> -> vector<16xi32>
      %min3A_681 = arith.minsi %min3A_674, %gather3A_680 : vector<16xi32>
      %xor3A_682 = arith.constant 1 : i32
      %xor3A_683 = vector.broadcast %xor3A_682 : i32 to vector<16xi32>
      %xor3A_684 = arith.xori %iota3A, %xor3A_683 : vector<16xi32>
      %broadcast_in_dim3A_685 = vector.shape_cast %xor3A_684 : vector<16xi32> to vector<16x1xi32>
      %gather3A_686 = vector.shape_cast %broadcast_in_dim3A_685 : vector<16x1xi32> to vector<16xi32>
      %gather3A_687 = tpu.dynamic_gather %min3A_681[%gather3A_686] in [0] : vector<16xi32>, vector<16xi32> -> vector<16xi32>
      %min3A_688 = arith.minsi %min3A_681, %gather3A_687 : vector<16xi32>
      %eq3A_689 = arith.cmpi eq, %iota3A, %min3A_688 : vector<16xi32>
      %jit3A_690 = arith.constant -1.000000e+00 : f32
      %broadcast_in_dim3A_691 = vector.broadcast %jit3A_690 : f32 to vector<16xf32>
      %select_n3A_692 = arith.select %eq3A_689, %broadcast_in_dim3A_691, %mul3A_628 : vector<16xi1>, vector<16xf32>
      %xor3A_693 = arith.constant 8 : i32
      %xor3A_694 = vector.broadcast %xor3A_693 : i32 to vector<16xi32>
      %xor3A_695 = arith.xori %iota3A, %xor3A_694 : vector<16xi32>
      %broadcast_in_dim3A_696 = vector.shape_cast %xor3A_695 : vector<16xi32> to vector<16x1xi32>
      %gather3A_697 = vector.shape_cast %broadcast_in_dim3A_696 : vector<16x1xi32> to vector<16xi32>
      %gather3A_698 = tpu.dynamic_gather %select_n3A_692[%gather3A_697] in [0] : vector<16xf32>, vector<16xi32> -> vector<16xf32>
      %max3A_699 = arith.maximumf %select_n3A_692, %gather3A_698 : vector<16xf32>
      %xor3A_700 = arith.constant 4 : i32
      %xor3A_701 = vector.broadcast %xor3A_700 : i32 to vector<16xi32>
      %xor3A_702 = arith.xori %iota3A, %xor3A_701 : vector<16xi32>
      %broadcast_in_dim3A_703 = vector.shape_cast %xor3A_702 : vector<16xi32> to vector<16x1xi32>
      %gather3A_704 = vector.shape_cast %broadcast_in_dim3A_703 : vector<16x1xi32> to vector<16xi32>
      %gather3A_705 = tpu.dynamic_gather %max3A_699[%gather3A_704] in [0] : vector<16xf32>, vector<16xi32> -> vector<16xf32>
      %max3A_706 = arith.maximumf %max3A_699, %gather3A_705 : vector<16xf32>
      %xor3A_707 = arith.constant 2 : i32
      %xor3A_708 = vector.broadcast %xor3A_707 : i32 to vector<16xi32>
      %xor3A_709 = arith.xori %iota3A, %xor3A_708 : vector<16xi32>
      %broadcast_in_dim3A_710 = vector.shape_cast %xor3A_709 : vector<16xi32> to vector<16x1xi32>
      %gather3A_711 = vector.shape_cast %broadcast_in_dim3A_710 : vector<16x1xi32> to vector<16xi32>
      %gather3A_712 = tpu.dynamic_gather %max3A_706[%gather3A_711] in [0] : vector<16xf32>, vector<16xi32> -> vector<16xf32>
      %max3A_713 = arith.maximumf %max3A_706, %gather3A_712 : vector<16xf32>
      %xor3A_714 = arith.constant 1 : i32
      %xor3A_715 = vector.broadcast %xor3A_714 : i32 to vector<16xi32>
      %xor3A_716 = arith.xori %iota3A, %xor3A_715 : vector<16xi32>
      %broadcast_in_dim3A_717 = vector.shape_cast %xor3A_716 : vector<16xi32> to vector<16x1xi32>
      %gather3A_718 = vector.shape_cast %broadcast_in_dim3A_717 : vector<16x1xi32> to vector<16xi32>
      %gather3A_719 = tpu.dynamic_gather %max3A_713[%gather3A_718] in [0] : vector<16xf32>, vector<16xi32> -> vector<16xf32>
      %max3A_720 = arith.maximumf %max3A_713, %gather3A_719 : vector<16xf32>
      %eq3A_721 = arith.cmpf oeq, %select_n3A_692, %max3A_720 : vector<16xf32>
      %jit3A_722 = arith.constant 16 : i32
      %broadcast_in_dim3A_723 = vector.broadcast %jit3A_722 : i32 to vector<16xi32>
      %select_n3A_724 = arith.select %eq3A_721, %iota3A, %broadcast_in_dim3A_723 : vector<16xi1>, vector<16xi32>
      %xor3A_725 = arith.constant 8 : i32
      %xor3A_726 = vector.broadcast %xor3A_725 : i32 to vector<16xi32>
      %xor3A_727 = arith.xori %iota3A, %xor3A_726 : vector<16xi32>
      %broadcast_in_dim3A_728 = vector.shape_cast %xor3A_727 : vector<16xi32> to vector<16x1xi32>
      %gather3A_729 = vector.shape_cast %broadcast_in_dim3A_728 : vector<16x1xi32> to vector<16xi32>
      %gather3A_730 = tpu.dynamic_gather %select_n3A_724[%gather3A_729] in [0] : vector<16xi32>, vector<16xi32> -> vector<16xi32>
      %min3A_731 = arith.minsi %select_n3A_724, %gather3A_730 : vector<16xi32>
      %xor3A_732 = arith.constant 4 : i32
      %xor3A_733 = vector.broadcast %xor3A_732 : i32 to vector<16xi32>
      %xor3A_734 = arith.xori %iota3A, %xor3A_733 : vector<16xi32>
      %broadcast_in_dim3A_735 = vector.shape_cast %xor3A_734 : vector<16xi32> to vector<16x1xi32>
      %gather3A_736 = vector.shape_cast %broadcast_in_dim3A_735 : vector<16x1xi32> to vector<16xi32>
      %gather3A_737 = tpu.dynamic_gather %min3A_731[%gather3A_736] in [0] : vector<16xi32>, vector<16xi32> -> vector<16xi32>
      %min3A_738 = arith.minsi %min3A_731, %gather3A_737 : vector<16xi32>
      %xor3A_739 = arith.constant 2 : i32
      %xor3A_740 = vector.broadcast %xor3A_739 : i32 to vector<16xi32>
      %xor3A_741 = arith.xori %iota3A, %xor3A_740 : vector<16xi32>
      %broadcast_in_dim3A_742 = vector.shape_cast %xor3A_741 : vector<16xi32> to vector<16x1xi32>
      %gather3A_743 = vector.shape_cast %broadcast_in_dim3A_742 : vector<16x1xi32> to vector<16xi32>
      %gather3A_744 = tpu.dynamic_gather %min3A_738[%gather3A_743] in [0] : vector<16xi32>, vector<16xi32> -> vector<16xi32>
      %min3A_745 = arith.minsi %min3A_738, %gather3A_744 : vector<16xi32>
      %xor3A_746 = arith.constant 1 : i32
      %xor3A_747 = vector.broadcast %xor3A_746 : i32 to vector<16xi32>
      %xor3A_748 = arith.xori %iota3A, %xor3A_747 : vector<16xi32>
      %broadcast_in_dim3A_749 = vector.shape_cast %xor3A_748 : vector<16xi32> to vector<16x1xi32>
      %gather3A_750 = vector.shape_cast %broadcast_in_dim3A_749 : vector<16x1xi32> to vector<16xi32>
      %gather3A_751 = tpu.dynamic_gather %min3A_745[%gather3A_750] in [0] : vector<16xi32>, vector<16xi32> -> vector<16xi32>
      %min3A_752 = arith.minsi %min3A_745, %gather3A_751 : vector<16xi32>
      %eq3A_753 = arith.constant 6 : i32
      %eq3A_754 = vector.broadcast %eq3A_753 : i32 to vector<16xi32>
      %eq3A_755 = arith.cmpi eq, %iota3A, %eq3A_754 : vector<16xi32>
      %select_n3A_756 = arith.select %eq3A_755, %min3A_688, %select_n3A_571 : vector<16xi1>, vector<16xi32>
      %eq3A_757 = arith.constant 7 : i32
      %eq3A_758 = vector.broadcast %eq3A_757 : i32 to vector<16xi32>
      %eq3A_759 = arith.cmpi eq, %iota3A, %eq3A_758 : vector<16xi32>
      %select_n3A_760 = arith.select %eq3A_759, %min3A_752, %select_n3A_756 : vector<16xi1>, vector<16xi32>
      %add3A_761 = arith.constant 4 : i32
      %add3A_762 = arith.addi %mul3A_15, %add3A_761 : i32
      %mul3A_763 = arith.constant 9 : i32
      %mul3A_764 = arith.muli %add3A_762, %mul3A_763 : i32
      %get3A_765 = arith.index_cast %mul3A_764 : i32 to index
      %get3A_766 = tpu.vector_load %arg5[%get3A_765] {strides = array<i32>} : memref<944xf32, #tpu.memory_space<vmem>>, vector<16xf32>,
      %get3A_767 = vector.shape_cast %get3A_766 : vector<16xf32> to vector<16xf32>
      %lt3A_768 = arith.constant 9 : i32
      %lt3A_769 = vector.broadcast %lt3A_768 : i32 to vector<16xi32>
      %lt3A_770 = arith.cmpi slt, %iota3A, %lt3A_769 : vector<16xi32>
      %jit3A_771 = arith.constant 0.000000e+00 : f32
      %broadcast_in_dim3A_772 = vector.broadcast %jit3A_771 : f32 to vector<16xf32>
      %select_n3A_773 = arith.select %lt3A_770, %get3A_767, %broadcast_in_dim3A_772 : vector<16xi1>, vector<16xf32>
      %get3A_774 = arith.constant 128 : index
      %get3A_775 = tpu.vector_load %arg6[%get3A_774] {strides = array<i32>} : memref<256xf32, #tpu.memory_space<vmem>>, vector<16xf32>,
      %get3A_776 = vector.shape_cast %get3A_775 : vector<16xf32> to vector<16xf32>
      %get3A_777 = arith.constant 144 : index
      %get3A_778 = tpu.vector_load %arg6[%get3A_777] {strides = array<i32>} : memref<256xf32, #tpu.memory_space<vmem>>, vector<16xf32>,
      %get3A_779 = vector.shape_cast %get3A_778 : vector<16xf32> to vector<16xf32>
      %add3A_780 = arith.addf %select_n3A_773, %get3A_776 : vector<16xf32>
      %div3A_781 = arith.constant 5.000000e-01 : f32
      %div3A_782 = vector.broadcast %div3A_781 : f32 to vector<16xf32>
      %div3A_783 = arith.divf %add3A_780, %div3A_782 : vector<16xf32>
      %exp3A_784 = math.exp %div3A_783 : vector<16xf32>
      %xor3A_785 = arith.constant 8 : i32
      %xor3A_786 = vector.broadcast %xor3A_785 : i32 to vector<16xi32>
      %xor3A_787 = arith.xori %iota3A, %xor3A_786 : vector<16xi32>
      %broadcast_in_dim3A_788 = vector.shape_cast %xor3A_787 : vector<16xi32> to vector<16x1xi32>
      %gather3A_789 = vector.shape_cast %broadcast_in_dim3A_788 : vector<16x1xi32> to vector<16xi32>
      %gather3A_790 = tpu.dynamic_gather %exp3A_784[%gather3A_789] in [0] : vector<16xf32>, vector<16xi32> -> vector<16xf32>
      %add3A_791 = arith.addf %exp3A_784, %gather3A_790 : vector<16xf32>
      %xor3A_792 = arith.constant 4 : i32
      %xor3A_793 = vector.broadcast %xor3A_792 : i32 to vector<16xi32>
      %xor3A_794 = arith.xori %iota3A, %xor3A_793 : vector<16xi32>
      %broadcast_in_dim3A_795 = vector.shape_cast %xor3A_794 : vector<16xi32> to vector<16x1xi32>
      %gather3A_796 = vector.shape_cast %broadcast_in_dim3A_795 : vector<16x1xi32> to vector<16xi32>
      %gather3A_797 = tpu.dynamic_gather %add3A_791[%gather3A_796] in [0] : vector<16xf32>, vector<16xi32> -> vector<16xf32>
      %add3A_798 = arith.addf %add3A_791, %gather3A_797 : vector<16xf32>
      %xor3A_799 = arith.constant 2 : i32
      %xor3A_800 = vector.broadcast %xor3A_799 : i32 to vector<16xi32>
      %xor3A_801 = arith.xori %iota3A, %xor3A_800 : vector<16xi32>
      %broadcast_in_dim3A_802 = vector.shape_cast %xor3A_801 : vector<16xi32> to vector<16x1xi32>
      %gather3A_803 = vector.shape_cast %broadcast_in_dim3A_802 : vector<16x1xi32> to vector<16xi32>
      %gather3A_804 = tpu.dynamic_gather %add3A_798[%gather3A_803] in [0] : vector<16xf32>, vector<16xi32> -> vector<16xf32>
      %add3A_805 = arith.addf %add3A_798, %gather3A_804 : vector<16xf32>
      %xor3A_806 = arith.constant 1 : i32
      %xor3A_807 = vector.broadcast %xor3A_806 : i32 to vector<16xi32>
      %xor3A_808 = arith.xori %iota3A, %xor3A_807 : vector<16xi32>
      %broadcast_in_dim3A_809 = vector.shape_cast %xor3A_808 : vector<16xi32> to vector<16x1xi32>
      %gather3A_810 = vector.shape_cast %broadcast_in_dim3A_809 : vector<16x1xi32> to vector<16xi32>
      %gather3A_811 = tpu.dynamic_gather %add3A_805[%gather3A_810] in [0] : vector<16xf32>, vector<16xi32> -> vector<16xf32>
      %add3A_812 = arith.addf %add3A_805, %gather3A_811 : vector<16xf32>
      %div3A_813 = arith.divf %exp3A_784, %add3A_812 : vector<16xf32>
      %add3A_814 = arith.constant 1.000000e-07 : f32
      %add3A_815 = vector.broadcast %add3A_814 : f32 to vector<16xf32>
      %add3A_816 = arith.addf %div3A_813, %add3A_815 : vector<16xf32>
      %mul3A_817 = arith.mulf %add3A_816, %get3A_779 : vector<16xf32>
      %xor3A_818 = arith.constant 8 : i32
      %xor3A_819 = vector.broadcast %xor3A_818 : i32 to vector<16xi32>
      %xor3A_820 = arith.xori %iota3A, %xor3A_819 : vector<16xi32>
      %broadcast_in_dim3A_821 = vector.shape_cast %xor3A_820 : vector<16xi32> to vector<16x1xi32>
      %gather3A_822 = vector.shape_cast %broadcast_in_dim3A_821 : vector<16x1xi32> to vector<16xi32>
      %gather3A_823 = tpu.dynamic_gather %mul3A_817[%gather3A_822] in [0] : vector<16xf32>, vector<16xi32> -> vector<16xf32>
      %max3A_824 = arith.maximumf %mul3A_817, %gather3A_823 : vector<16xf32>
      %xor3A_825 = arith.constant 4 : i32
      %xor3A_826 = vector.broadcast %xor3A_825 : i32 to vector<16xi32>
      %xor3A_827 = arith.xori %iota3A, %xor3A_826 : vector<16xi32>
      %broadcast_in_dim3A_828 = vector.shape_cast %xor3A_827 : vector<16xi32> to vector<16x1xi32>
      %gather3A_829 = vector.shape_cast %broadcast_in_dim3A_828 : vector<16x1xi32> to vector<16xi32>
      %gather3A_830 = tpu.dynamic_gather %max3A_824[%gather3A_829] in [0] : vector<16xf32>, vector<16xi32> -> vector<16xf32>
      %max3A_831 = arith.maximumf %max3A_824, %gather3A_830 : vector<16xf32>
      %xor3A_832 = arith.constant 2 : i32
      %xor3A_833 = vector.broadcast %xor3A_832 : i32 to vector<16xi32>
      %xor3A_834 = arith.xori %iota3A, %xor3A_833 : vector<16xi32>
      %broadcast_in_dim3A_835 = vector.shape_cast %xor3A_834 : vector<16xi32> to vector<16x1xi32>
      %gather3A_836 = vector.shape_cast %broadcast_in_dim3A_835 : vector<16x1xi32> to vector<16xi32>
      %gather3A_837 = tpu.dynamic_gather %max3A_831[%gather3A_836] in [0] : vector<16xf32>, vector<16xi32> -> vector<16xf32>
      %max3A_838 = arith.maximumf %max3A_831, %gather3A_837 : vector<16xf32>
      %xor3A_839 = arith.constant 1 : i32
      %xor3A_840 = vector.broadcast %xor3A_839 : i32 to vector<16xi32>
      %xor3A_841 = arith.xori %iota3A, %xor3A_840 : vector<16xi32>
      %broadcast_in_dim3A_842 = vector.shape_cast %xor3A_841 : vector<16xi32> to vector<16x1xi32>
      %gather3A_843 = vector.shape_cast %broadcast_in_dim3A_842 : vector<16x1xi32> to vector<16xi32>
      %gather3A_844 = tpu.dynamic_gather %max3A_838[%gather3A_843] in [0] : vector<16xf32>, vector<16xi32> -> vector<16xf32>
      %max3A_845 = arith.maximumf %max3A_838, %gather3A_844 : vector<16xf32>
      %eq3A_846 = arith.cmpf oeq, %mul3A_817, %max3A_845 : vector<16xf32>
      %jit3A_847 = arith.constant 16 : i32
      %broadcast_in_dim3A_848 = vector.broadcast %jit3A_847 : i32 to vector<16xi32>
      %select_n3A_849 = arith.select %eq3A_846, %iota3A, %broadcast_in_dim3A_848 : vector<16xi1>, vector<16xi32>
      %xor3A_850 = arith.constant 8 : i32
      %xor3A_851 = vector.broadcast %xor3A_850 : i32 to vector<16xi32>
      %xor3A_852 = arith.xori %iota3A, %xor3A_851 : vector<16xi32>
      %broadcast_in_dim3A_853 = vector.shape_cast %xor3A_852 : vector<16xi32> to vector<16x1xi32>
      %gather3A_854 = vector.shape_cast %broadcast_in_dim3A_853 : vector<16x1xi32> to vector<16xi32>
      %gather3A_855 = tpu.dynamic_gather %select_n3A_849[%gather3A_854] in [0] : vector<16xi32>, vector<16xi32> -> vector<16xi32>
      %min3A_856 = arith.minsi %select_n3A_849, %gather3A_855 : vector<16xi32>
      %xor3A_857 = arith.constant 4 : i32
      %xor3A_858 = vector.broadcast %xor3A_857 : i32 to vector<16xi32>
      %xor3A_859 = arith.xori %iota3A, %xor3A_858 : vector<16xi32>
      %broadcast_in_dim3A_860 = vector.shape_cast %xor3A_859 : vector<16xi32> to vector<16x1xi32>
      %gather3A_861 = vector.shape_cast %broadcast_in_dim3A_860 : vector<16x1xi32> to vector<16xi32>
      %gather3A_862 = tpu.dynamic_gather %min3A_856[%gather3A_861] in [0] : vector<16xi32>, vector<16xi32> -> vector<16xi32>
      %min3A_863 = arith.minsi %min3A_856, %gather3A_862 : vector<16xi32>
      %xor3A_864 = arith.constant 2 : i32
      %xor3A_865 = vector.broadcast %xor3A_864 : i32 to vector<16xi32>
      %xor3A_866 = arith.xori %iota3A, %xor3A_865 : vector<16xi32>
      %broadcast_in_dim3A_867 = vector.shape_cast %xor3A_866 : vector<16xi32> to vector<16x1xi32>
      %gather3A_868 = vector.shape_cast %broadcast_in_dim3A_867 : vector<16x1xi32> to vector<16xi32>
      %gather3A_869 = tpu.dynamic_gather %min3A_863[%gather3A_868] in [0] : vector<16xi32>, vector<16xi32> -> vector<16xi32>
      %min3A_870 = arith.minsi %min3A_863, %gather3A_869 : vector<16xi32>
      %xor3A_871 = arith.constant 1 : i32
      %xor3A_872 = vector.broadcast %xor3A_871 : i32 to vector<16xi32>
      %xor3A_873 = arith.xori %iota3A, %xor3A_872 : vector<16xi32>
      %broadcast_in_dim3A_874 = vector.shape_cast %xor3A_873 : vector<16xi32> to vector<16x1xi32>
      %gather3A_875 = vector.shape_cast %broadcast_in_dim3A_874 : vector<16x1xi32> to vector<16xi32>
      %gather3A_876 = tpu.dynamic_gather %min3A_870[%gather3A_875] in [0] : vector<16xi32>, vector<16xi32> -> vector<16xi32>
      %min3A_877 = arith.minsi %min3A_870, %gather3A_876 : vector<16xi32>
      %eq3A_878 = arith.cmpi eq, %iota3A, %min3A_877 : vector<16xi32>
      %jit3A_879 = arith.constant -1.000000e+00 : f32
      %broadcast_in_dim3A_880 = vector.broadcast %jit3A_879 : f32 to vector<16xf32>
      %select_n3A_881 = arith.select %eq3A_878, %broadcast_in_dim3A_880, %mul3A_817 : vector<16xi1>, vector<16xf32>
      %xor3A_882 = arith.constant 8 : i32
      %xor3A_883 = vector.broadcast %xor3A_882 : i32 to vector<16xi32>
      %xor3A_884 = arith.xori %iota3A, %xor3A_883 : vector<16xi32>
      %broadcast_in_dim3A_885 = vector.shape_cast %xor3A_884 : vector<16xi32> to vector<16x1xi32>
      %gather3A_886 = vector.shape_cast %broadcast_in_dim3A_885 : vector<16x1xi32> to vector<16xi32>
      %gather3A_887 = tpu.dynamic_gather %select_n3A_881[%gather3A_886] in [0] : vector<16xf32>, vector<16xi32> -> vector<16xf32>
      %max3A_888 = arith.maximumf %select_n3A_881, %gather3A_887 : vector<16xf32>
      %xor3A_889 = arith.constant 4 : i32
      %xor3A_890 = vector.broadcast %xor3A_889 : i32 to vector<16xi32>
      %xor3A_891 = arith.xori %iota3A, %xor3A_890 : vector<16xi32>
      %broadcast_in_dim3A_892 = vector.shape_cast %xor3A_891 : vector<16xi32> to vector<16x1xi32>
      %gather3A_893 = vector.shape_cast %broadcast_in_dim3A_892 : vector<16x1xi32> to vector<16xi32>
      %gather3A_894 = tpu.dynamic_gather %max3A_888[%gather3A_893] in [0] : vector<16xf32>, vector<16xi32> -> vector<16xf32>
      %max3A_895 = arith.maximumf %max3A_888, %gather3A_894 : vector<16xf32>
      %xor3A_896 = arith.constant 2 : i32
      %xor3A_897 = vector.broadcast %xor3A_896 : i32 to vector<16xi32>
      %xor3A_898 = arith.xori %iota3A, %xor3A_897 : vector<16xi32>
      %broadcast_in_dim3A_899 = vector.shape_cast %xor3A_898 : vector<16xi32> to vector<16x1xi32>
      %gather3A_900 = vector.shape_cast %broadcast_in_dim3A_899 : vector<16x1xi32> to vector<16xi32>
      %gather3A_901 = tpu.dynamic_gather %max3A_895[%gather3A_900] in [0] : vector<16xf32>, vector<16xi32> -> vector<16xf32>
      %max3A_902 = arith.maximumf %max3A_895, %gather3A_901 : vector<16xf32>
      %xor3A_903 = arith.constant 1 : i32
      %xor3A_904 = vector.broadcast %xor3A_903 : i32 to vector<16xi32>
      %xor3A_905 = arith.xori %iota3A, %xor3A_904 : vector<16xi32>
      %broadcast_in_dim3A_906 = vector.shape_cast %xor3A_905 : vector<16xi32> to vector<16x1xi32>
      %gather3A_907 = vector.shape_cast %broadcast_in_dim3A_906 : vector<16x1xi32> to vector<16xi32>
      %gather3A_908 = tpu.dynamic_gather %max3A_902[%gather3A_907] in [0] : vector<16xf32>, vector<16xi32> -> vector<16xf32>
      %max3A_909 = arith.maximumf %max3A_902, %gather3A_908 : vector<16xf32>
      %eq3A_910 = arith.cmpf oeq, %select_n3A_881, %max3A_909 : vector<16xf32>
      %jit3A_911 = arith.constant 16 : i32
      %broadcast_in_dim3A_912 = vector.broadcast %jit3A_911 : i32 to vector<16xi32>
      %select_n3A_913 = arith.select %eq3A_910, %iota3A, %broadcast_in_dim3A_912 : vector<16xi1>, vector<16xi32>
      %xor3A_914 = arith.constant 8 : i32
      %xor3A_915 = vector.broadcast %xor3A_914 : i32 to vector<16xi32>
      %xor3A_916 = arith.xori %iota3A, %xor3A_915 : vector<16xi32>
      %broadcast_in_dim3A_917 = vector.shape_cast %xor3A_916 : vector<16xi32> to vector<16x1xi32>
      %gather3A_918 = vector.shape_cast %broadcast_in_dim3A_917 : vector<16x1xi32> to vector<16xi32>
      %gather3A_919 = tpu.dynamic_gather %select_n3A_913[%gather3A_918] in [0] : vector<16xi32>, vector<16xi32> -> vector<16xi32>
      %min3A_920 = arith.minsi %select_n3A_913, %gather3A_919 : vector<16xi32>
      %xor3A_921 = arith.constant 4 : i32
      %xor3A_922 = vector.broadcast %xor3A_921 : i32 to vector<16xi32>
      %xor3A_923 = arith.xori %iota3A, %xor3A_922 : vector<16xi32>
      %broadcast_in_dim3A_924 = vector.shape_cast %xor3A_923 : vector<16xi32> to vector<16x1xi32>
      %gather3A_925 = vector.shape_cast %broadcast_in_dim3A_924 : vector<16x1xi32> to vector<16xi32>
      %gather3A_926 = tpu.dynamic_gather %min3A_920[%gather3A_925] in [0] : vector<16xi32>, vector<16xi32> -> vector<16xi32>
      %min3A_927 = arith.minsi %min3A_920, %gather3A_926 : vector<16xi32>
      %xor3A_928 = arith.constant 2 : i32
      %xor3A_929 = vector.broadcast %xor3A_928 : i32 to vector<16xi32>
      %xor3A_930 = arith.xori %iota3A, %xor3A_929 : vector<16xi32>
      %broadcast_in_dim3A_931 = vector.shape_cast %xor3A_930 : vector<16xi32> to vector<16x1xi32>
      %gather3A_932 = vector.shape_cast %broadcast_in_dim3A_931 : vector<16x1xi32> to vector<16xi32>
      %gather3A_933 = tpu.dynamic_gather %min3A_927[%gather3A_932] in [0] : vector<16xi32>, vector<16xi32> -> vector<16xi32>
      %min3A_934 = arith.minsi %min3A_927, %gather3A_933 : vector<16xi32>
      %xor3A_935 = arith.constant 1 : i32
      %xor3A_936 = vector.broadcast %xor3A_935 : i32 to vector<16xi32>
      %xor3A_937 = arith.xori %iota3A, %xor3A_936 : vector<16xi32>
      %broadcast_in_dim3A_938 = vector.shape_cast %xor3A_937 : vector<16xi32> to vector<16x1xi32>
      %gather3A_939 = vector.shape_cast %broadcast_in_dim3A_938 : vector<16x1xi32> to vector<16xi32>
      %gather3A_940 = tpu.dynamic_gather %min3A_934[%gather3A_939] in [0] : vector<16xi32>, vector<16xi32> -> vector<16xi32>
      %min3A_941 = arith.minsi %min3A_934, %gather3A_940 : vector<16xi32>
      %eq3A_942 = arith.constant 8 : i32
      %eq3A_943 = vector.broadcast %eq3A_942 : i32 to vector<16xi32>
      %eq3A_944 = arith.cmpi eq, %iota3A, %eq3A_943 : vector<16xi32>
      %select_n3A_945 = arith.select %eq3A_944, %min3A_877, %select_n3A_760 : vector<16xi1>, vector<16xi32>
      %eq3A_946 = arith.constant 9 : i32
      %eq3A_947 = vector.broadcast %eq3A_946 : i32 to vector<16xi32>
      %eq3A_948 = arith.cmpi eq, %iota3A, %eq3A_947 : vector<16xi32>
      %select_n3A_949 = arith.select %eq3A_948, %min3A_941, %select_n3A_945 : vector<16xi1>, vector<16xi32>
      %add3A_950 = arith.constant 5 : i32
      %add3A_951 = arith.addi %mul3A_15, %add3A_950 : i32
      %mul3A_952 = arith.constant 9 : i32
      %mul3A_953 = arith.muli %add3A_951, %mul3A_952 : i32
      %get3A_954 = arith.index_cast %mul3A_953 : i32 to index
      %get3A_955 = tpu.vector_load %arg5[%get3A_954] {strides = array<i32>} : memref<944xf32, #tpu.memory_space<vmem>>, vector<16xf32>,
      %get3A_956 = vector.shape_cast %get3A_955 : vector<16xf32> to vector<16xf32>
      %lt3A_957 = arith.constant 9 : i32
      %lt3A_958 = vector.broadcast %lt3A_957 : i32 to vector<16xi32>
      %lt3A_959 = arith.cmpi slt, %iota3A, %lt3A_958 : vector<16xi32>
      %jit3A_960 = arith.constant 0.000000e+00 : f32
      %broadcast_in_dim3A_961 = vector.broadcast %jit3A_960 : f32 to vector<16xf32>
      %select_n3A_962 = arith.select %lt3A_959, %get3A_956, %broadcast_in_dim3A_961 : vector<16xi1>, vector<16xf32>
      %get3A_963 = arith.constant 160 : index
      %get3A_964 = tpu.vector_load %arg6[%get3A_963] {strides = array<i32>} : memref<256xf32, #tpu.memory_space<vmem>>, vector<16xf32>,
      %get3A_965 = vector.shape_cast %get3A_964 : vector<16xf32> to vector<16xf32>
      %get3A_966 = arith.constant 176 : index
      %get3A_967 = tpu.vector_load %arg6[%get3A_966] {strides = array<i32>} : memref<256xf32, #tpu.memory_space<vmem>>, vector<16xf32>,
      %get3A_968 = vector.shape_cast %get3A_967 : vector<16xf32> to vector<16xf32>
      %add3A_969 = arith.addf %select_n3A_962, %get3A_965 : vector<16xf32>
      %div3A_970 = arith.constant 5.000000e-01 : f32
      %div3A_971 = vector.broadcast %div3A_970 : f32 to vector<16xf32>
      %div3A_972 = arith.divf %add3A_969, %div3A_971 : vector<16xf32>
      %exp3A_973 = math.exp %div3A_972 : vector<16xf32>
      %xor3A_974 = arith.constant 8 : i32
      %xor3A_975 = vector.broadcast %xor3A_974 : i32 to vector<16xi32>
      %xor3A_976 = arith.xori %iota3A, %xor3A_975 : vector<16xi32>
      %broadcast_in_dim3A_977 = vector.shape_cast %xor3A_976 : vector<16xi32> to vector<16x1xi32>
      %gather3A_978 = vector.shape_cast %broadcast_in_dim3A_977 : vector<16x1xi32> to vector<16xi32>
      %gather3A_979 = tpu.dynamic_gather %exp3A_973[%gather3A_978] in [0] : vector<16xf32>, vector<16xi32> -> vector<16xf32>
      %add3A_980 = arith.addf %exp3A_973, %gather3A_979 : vector<16xf32>
      %xor3A_981 = arith.constant 4 : i32
      %xor3A_982 = vector.broadcast %xor3A_981 : i32 to vector<16xi32>
      %xor3A_983 = arith.xori %iota3A, %xor3A_982 : vector<16xi32>
      %broadcast_in_dim3A_984 = vector.shape_cast %xor3A_983 : vector<16xi32> to vector<16x1xi32>
      %gather3A_985 = vector.shape_cast %broadcast_in_dim3A_984 : vector<16x1xi32> to vector<16xi32>
      %gather3A_986 = tpu.dynamic_gather %add3A_980[%gather3A_985] in [0] : vector<16xf32>, vector<16xi32> -> vector<16xf32>
      %add3A_987 = arith.addf %add3A_980, %gather3A_986 : vector<16xf32>
      %xor3A_988 = arith.constant 2 : i32
      %xor3A_989 = vector.broadcast %xor3A_988 : i32 to vector<16xi32>
      %xor3A_990 = arith.xori %iota3A, %xor3A_989 : vector<16xi32>
      %broadcast_in_dim3A_991 = vector.shape_cast %xor3A_990 : vector<16xi32> to vector<16x1xi32>
      %gather3A_992 = vector.shape_cast %broadcast_in_dim3A_991 : vector<16x1xi32> to vector<16xi32>
      %gather3A_993 = tpu.dynamic_gather %add3A_987[%gather3A_992] in [0] : vector<16xf32>, vector<16xi32> -> vector<16xf32>
      %add3A_994 = arith.addf %add3A_987, %gather3A_993 : vector<16xf32>
      %xor3A_995 = arith.constant 1 : i32
      %xor3A_996 = vector.broadcast %xor3A_995 : i32 to vector<16xi32>
      %xor3A_997 = arith.xori %iota3A, %xor3A_996 : vector<16xi32>
      %broadcast_in_dim3A_998 = vector.shape_cast %xor3A_997 : vector<16xi32> to vector<16x1xi32>
      %gather3A_999 = vector.shape_cast %broadcast_in_dim3A_998 : vector<16x1xi32> to vector<16xi32>
      %gather3A_1000 = tpu.dynamic_gather %add3A_994[%gather3A_999] in [0] : vector<16xf32>, vector<16xi32> -> vector<16xf32>
      %add3A_1001 = arith.addf %add3A_994, %gather3A_1000 : vector<16xf32>
      %div3A_1002 = arith.divf %exp3A_973, %add3A_1001 : vector<16xf32>
      %add3A_1003 = arith.constant 1.000000e-07 : f32
      %add3A_1004 = vector.broadcast %add3A_1003 : f32 to vector<16xf32>
      %add3A_1005 = arith.addf %div3A_1002, %add3A_1004 : vector<16xf32>
      %mul3A_1006 = arith.mulf %add3A_1005, %get3A_968 : vector<16xf32>
      %xor3A_1007 = arith.constant 8 : i32
      %xor3A_1008 = vector.broadcast %xor3A_1007 : i32 to vector<16xi32>
      %xor3A_1009 = arith.xori %iota3A, %xor3A_1008 : vector<16xi32>
      %broadcast_in_dim3A_1010 = vector.shape_cast %xor3A_1009 : vector<16xi32> to vector<16x1xi32>
      %gather3A_1011 = vector.shape_cast %broadcast_in_dim3A_1010 : vector<16x1xi32> to vector<16xi32>
      %gather3A_1012 = tpu.dynamic_gather %mul3A_1006[%gather3A_1011] in [0] : vector<16xf32>, vector<16xi32> -> vector<16xf32>
      %max3A_1013 = arith.maximumf %mul3A_1006, %gather3A_1012 : vector<16xf32>
      %xor3A_1014 = arith.constant 4 : i32
      %xor3A_1015 = vector.broadcast %xor3A_1014 : i32 to vector<16xi32>
      %xor3A_1016 = arith.xori %iota3A, %xor3A_1015 : vector<16xi32>
      %broadcast_in_dim3A_1017 = vector.shape_cast %xor3A_1016 : vector<16xi32> to vector<16x1xi32>
      %gather3A_1018 = vector.shape_cast %broadcast_in_dim3A_1017 : vector<16x1xi32> to vector<16xi32>
      %gather3A_1019 = tpu.dynamic_gather %max3A_1013[%gather3A_1018] in [0] : vector<16xf32>, vector<16xi32> -> vector<16xf32>
      %max3A_1020 = arith.maximumf %max3A_1013, %gather3A_1019 : vector<16xf32>
      %xor3A_1021 = arith.constant 2 : i32
      %xor3A_1022 = vector.broadcast %xor3A_1021 : i32 to vector<16xi32>
      %xor3A_1023 = arith.xori %iota3A, %xor3A_1022 : vector<16xi32>
      %broadcast_in_dim3A_1024 = vector.shape_cast %xor3A_1023 : vector<16xi32> to vector<16x1xi32>
      %gather3A_1025 = vector.shape_cast %broadcast_in_dim3A_1024 : vector<16x1xi32> to vector<16xi32>
      %gather3A_1026 = tpu.dynamic_gather %max3A_1020[%gather3A_1025] in [0] : vector<16xf32>, vector<16xi32> -> vector<16xf32>
      %max3A_1027 = arith.maximumf %max3A_1020, %gather3A_1026 : vector<16xf32>
      %xor3A_1028 = arith.constant 1 : i32
      %xor3A_1029 = vector.broadcast %xor3A_1028 : i32 to vector<16xi32>
      %xor3A_1030 = arith.xori %iota3A, %xor3A_1029 : vector<16xi32>
      %broadcast_in_dim3A_1031 = vector.shape_cast %xor3A_1030 : vector<16xi32> to vector<16x1xi32>
      %gather3A_1032 = vector.shape_cast %broadcast_in_dim3A_1031 : vector<16x1xi32> to vector<16xi32>
      %gather3A_1033 = tpu.dynamic_gather %max3A_1027[%gather3A_1032] in [0] : vector<16xf32>, vector<16xi32> -> vector<16xf32>
      %max3A_1034 = arith.maximumf %max3A_1027, %gather3A_1033 : vector<16xf32>
      %eq3A_1035 = arith.cmpf oeq, %mul3A_1006, %max3A_1034 : vector<16xf32>
      %jit3A_1036 = arith.constant 16 : i32
      %broadcast_in_dim3A_1037 = vector.broadcast %jit3A_1036 : i32 to vector<16xi32>
      %select_n3A_1038 = arith.select %eq3A_1035, %iota3A, %broadcast_in_dim3A_1037 : vector<16xi1>, vector<16xi32>
      %xor3A_1039 = arith.constant 8 : i32
      %xor3A_1040 = vector.broadcast %xor3A_1039 : i32 to vector<16xi32>
      %xor3A_1041 = arith.xori %iota3A, %xor3A_1040 : vector<16xi32>
      %broadcast_in_dim3A_1042 = vector.shape_cast %xor3A_1041 : vector<16xi32> to vector<16x1xi32>
      %gather3A_1043 = vector.shape_cast %broadcast_in_dim3A_1042 : vector<16x1xi32> to vector<16xi32>
      %gather3A_1044 = tpu.dynamic_gather %select_n3A_1038[%gather3A_1043] in [0] : vector<16xi32>, vector<16xi32> -> vector<16xi32>
      %min3A_1045 = arith.minsi %select_n3A_1038, %gather3A_1044 : vector<16xi32>
      %xor3A_1046 = arith.constant 4 : i32
      %xor3A_1047 = vector.broadcast %xor3A_1046 : i32 to vector<16xi32>
      %xor3A_1048 = arith.xori %iota3A, %xor3A_1047 : vector<16xi32>
      %broadcast_in_dim3A_1049 = vector.shape_cast %xor3A_1048 : vector<16xi32> to vector<16x1xi32>
      %gather3A_1050 = vector.shape_cast %broadcast_in_dim3A_1049 : vector<16x1xi32> to vector<16xi32>
      %gather3A_1051 = tpu.dynamic_gather %min3A_1045[%gather3A_1050] in [0] : vector<16xi32>, vector<16xi32> -> vector<16xi32>
      %min3A_1052 = arith.minsi %min3A_1045, %gather3A_1051 : vector<16xi32>
      %xor3A_1053 = arith.constant 2 : i32
      %xor3A_1054 = vector.broadcast %xor3A_1053 : i32 to vector<16xi32>
      %xor3A_1055 = arith.xori %iota3A, %xor3A_1054 : vector<16xi32>
      %broadcast_in_dim3A_1056 = vector.shape_cast %xor3A_1055 : vector<16xi32> to vector<16x1xi32>
      %gather3A_1057 = vector.shape_cast %broadcast_in_dim3A_1056 : vector<16x1xi32> to vector<16xi32>
      %gather3A_1058 = tpu.dynamic_gather %min3A_1052[%gather3A_1057] in [0] : vector<16xi32>, vector<16xi32> -> vector<16xi32>
      %min3A_1059 = arith.minsi %min3A_1052, %gather3A_1058 : vector<16xi32>
      %xor3A_1060 = arith.constant 1 : i32
      %xor3A_1061 = vector.broadcast %xor3A_1060 : i32 to vector<16xi32>
      %xor3A_1062 = arith.xori %iota3A, %xor3A_1061 : vector<16xi32>
      %broadcast_in_dim3A_1063 = vector.shape_cast %xor3A_1062 : vector<16xi32> to vector<16x1xi32>
      %gather3A_1064 = vector.shape_cast %broadcast_in_dim3A_1063 : vector<16x1xi32> to vector<16xi32>
      %gather3A_1065 = tpu.dynamic_gather %min3A_1059[%gather3A_1064] in [0] : vector<16xi32>, vector<16xi32> -> vector<16xi32>
      %min3A_1066 = arith.minsi %min3A_1059, %gather3A_1065 : vector<16xi32>
      %eq3A_1067 = arith.cmpi eq, %iota3A, %min3A_1066 : vector<16xi32>
      %jit3A_1068 = arith.constant -1.000000e+00 : f32
      %broadcast_in_dim3A_1069 = vector.broadcast %jit3A_1068 : f32 to vector<16xf32>
      %select_n3A_1070 = arith.select %eq3A_1067, %broadcast_in_dim3A_1069, %mul3A_1006 : vector<16xi1>, vector<16xf32>
      %xor3A_1071 = arith.constant 8 : i32
      %xor3A_1072 = vector.broadcast %xor3A_1071 : i32 to vector<16xi32>
      %xor3A_1073 = arith.xori %iota3A, %xor3A_1072 : vector<16xi32>
      %broadcast_in_dim3A_1074 = vector.shape_cast %xor3A_1073 : vector<16xi32> to vector<16x1xi32>
      %gather3A_1075 = vector.shape_cast %broadcast_in_dim3A_1074 : vector<16x1xi32> to vector<16xi32>
      %gather3A_1076 = tpu.dynamic_gather %select_n3A_1070[%gather3A_1075] in [0] : vector<16xf32>, vector<16xi32> -> vector<16xf32>
      %max3A_1077 = arith.maximumf %select_n3A_1070, %gather3A_1076 : vector<16xf32>
      %xor3A_1078 = arith.constant 4 : i32
      %xor3A_1079 = vector.broadcast %xor3A_1078 : i32 to vector<16xi32>
      %xor3A_1080 = arith.xori %iota3A, %xor3A_1079 : vector<16xi32>
      %broadcast_in_dim3A_1081 = vector.shape_cast %xor3A_1080 : vector<16xi32> to vector<16x1xi32>
      %gather3A_1082 = vector.shape_cast %broadcast_in_dim3A_1081 : vector<16x1xi32> to vector<16xi32>
      %gather3A_1083 = tpu.dynamic_gather %max3A_1077[%gather3A_1082] in [0] : vector<16xf32>, vector<16xi32> -> vector<16xf32>
      %max3A_1084 = arith.maximumf %max3A_1077, %gather3A_1083 : vector<16xf32>
      %xor3A_1085 = arith.constant 2 : i32
      %xor3A_1086 = vector.broadcast %xor3A_1085 : i32 to vector<16xi32>
      %xor3A_1087 = arith.xori %iota3A, %xor3A_1086 : vector<16xi32>
      %broadcast_in_dim3A_1088 = vector.shape_cast %xor3A_1087 : vector<16xi32> to vector<16x1xi32>
      %gather3A_1089 = vector.shape_cast %broadcast_in_dim3A_1088 : vector<16x1xi32> to vector<16xi32>
      %gather3A_1090 = tpu.dynamic_gather %max3A_1084[%gather3A_1089] in [0] : vector<16xf32>, vector<16xi32> -> vector<16xf32>
      %max3A_1091 = arith.maximumf %max3A_1084, %gather3A_1090 : vector<16xf32>
      %xor3A_1092 = arith.constant 1 : i32
      %xor3A_1093 = vector.broadcast %xor3A_1092 : i32 to vector<16xi32>
      %xor3A_1094 = arith.xori %iota3A, %xor3A_1093 : vector<16xi32>
      %broadcast_in_dim3A_1095 = vector.shape_cast %xor3A_1094 : vector<16xi32> to vector<16x1xi32>
      %gather3A_1096 = vector.shape_cast %broadcast_in_dim3A_1095 : vector<16x1xi32> to vector<16xi32>
      %gather3A_1097 = tpu.dynamic_gather %max3A_1091[%gather3A_1096] in [0] : vector<16xf32>, vector<16xi32> -> vector<16xf32>
      %max3A_1098 = arith.maximumf %max3A_1091, %gather3A_1097 : vector<16xf32>
      %eq3A_1099 = arith.cmpf oeq, %select_n3A_1070, %max3A_1098 : vector<16xf32>
      %jit3A_1100 = arith.constant 16 : i32
      %broadcast_in_dim3A_1101 = vector.broadcast %jit3A_1100 : i32 to vector<16xi32>
      %select_n3A_1102 = arith.select %eq3A_1099, %iota3A, %broadcast_in_dim3A_1101 : vector<16xi1>, vector<16xi32>
      %xor3A_1103 = arith.constant 8 : i32
      %xor3A_1104 = vector.broadcast %xor3A_1103 : i32 to vector<16xi32>
      %xor3A_1105 = arith.xori %iota3A, %xor3A_1104 : vector<16xi32>
      %broadcast_in_dim3A_1106 = vector.shape_cast %xor3A_1105 : vector<16xi32> to vector<16x1xi32>
      %gather3A_1107 = vector.shape_cast %broadcast_in_dim3A_1106 : vector<16x1xi32> to vector<16xi32>
      %gather3A_1108 = tpu.dynamic_gather %select_n3A_1102[%gather3A_1107] in [0] : vector<16xi32>, vector<16xi32> -> vector<16xi32>
      %min3A_1109 = arith.minsi %select_n3A_1102, %gather3A_1108 : vector<16xi32>
      %xor3A_1110 = arith.constant 4 : i32
      %xor3A_1111 = vector.broadcast %xor3A_1110 : i32 to vector<16xi32>
      %xor3A_1112 = arith.xori %iota3A, %xor3A_1111 : vector<16xi32>
      %broadcast_in_dim3A_1113 = vector.shape_cast %xor3A_1112 : vector<16xi32> to vector<16x1xi32>
      %gather3A_1114 = vector.shape_cast %broadcast_in_dim3A_1113 : vector<16x1xi32> to vector<16xi32>
      %gather3A_1115 = tpu.dynamic_gather %min3A_1109[%gather3A_1114] in [0] : vector<16xi32>, vector<16xi32> -> vector<16xi32>
      %min3A_1116 = arith.minsi %min3A_1109, %gather3A_1115 : vector<16xi32>
      %xor3A_1117 = arith.constant 2 : i32
      %xor3A_1118 = vector.broadcast %xor3A_1117 : i32 to vector<16xi32>
      %xor3A_1119 = arith.xori %iota3A, %xor3A_1118 : vector<16xi32>
      %broadcast_in_dim3A_1120 = vector.shape_cast %xor3A_1119 : vector<16xi32> to vector<16x1xi32>
      %gather3A_1121 = vector.shape_cast %broadcast_in_dim3A_1120 : vector<16x1xi32> to vector<16xi32>
      %gather3A_1122 = tpu.dynamic_gather %min3A_1116[%gather3A_1121] in [0] : vector<16xi32>, vector<16xi32> -> vector<16xi32>
      %min3A_1123 = arith.minsi %min3A_1116, %gather3A_1122 : vector<16xi32>
      %xor3A_1124 = arith.constant 1 : i32
      %xor3A_1125 = vector.broadcast %xor3A_1124 : i32 to vector<16xi32>
      %xor3A_1126 = arith.xori %iota3A, %xor3A_1125 : vector<16xi32>
      %broadcast_in_dim3A_1127 = vector.shape_cast %xor3A_1126 : vector<16xi32> to vector<16x1xi32>
      %gather3A_1128 = vector.shape_cast %broadcast_in_dim3A_1127 : vector<16x1xi32> to vector<16xi32>
      %gather3A_1129 = tpu.dynamic_gather %min3A_1123[%gather3A_1128] in [0] : vector<16xi32>, vector<16xi32> -> vector<16xi32>
      %min3A_1130 = arith.minsi %min3A_1123, %gather3A_1129 : vector<16xi32>
      %eq3A_1131 = arith.constant 10 : i32
      %eq3A_1132 = vector.broadcast %eq3A_1131 : i32 to vector<16xi32>
      %eq3A_1133 = arith.cmpi eq, %iota3A, %eq3A_1132 : vector<16xi32>
      %select_n3A_1134 = arith.select %eq3A_1133, %min3A_1066, %select_n3A_949 : vector<16xi1>, vector<16xi32>
      %eq3A_1135 = arith.constant 11 : i32
      %eq3A_1136 = vector.broadcast %eq3A_1135 : i32 to vector<16xi32>
      %eq3A_1137 = arith.cmpi eq, %iota3A, %eq3A_1136 : vector<16xi32>
      %select_n3A_1138 = arith.select %eq3A_1137, %min3A_1130, %select_n3A_1134 : vector<16xi1>, vector<16xi32>
      %add3A_1139 = arith.constant 6 : i32
      %add3A_1140 = arith.addi %mul3A_15, %add3A_1139 : i32
      %mul3A_1141 = arith.constant 9 : i32
      %mul3A_1142 = arith.muli %add3A_1140, %mul3A_1141 : i32
      %get3A_1143 = arith.index_cast %mul3A_1142 : i32 to index
      %get3A_1144 = tpu.vector_load %arg5[%get3A_1143] {strides = array<i32>} : memref<944xf32, #tpu.memory_space<vmem>>, vector<16xf32>,
      %get3A_1145 = vector.shape_cast %get3A_1144 : vector<16xf32> to vector<16xf32>
      %lt3A_1146 = arith.constant 9 : i32
      %lt3A_1147 = vector.broadcast %lt3A_1146 : i32 to vector<16xi32>
      %lt3A_1148 = arith.cmpi slt, %iota3A, %lt3A_1147 : vector<16xi32>
      %jit3A_1149 = arith.constant 0.000000e+00 : f32
      %broadcast_in_dim3A_1150 = vector.broadcast %jit3A_1149 : f32 to vector<16xf32>
      %select_n3A_1151 = arith.select %lt3A_1148, %get3A_1145, %broadcast_in_dim3A_1150 : vector<16xi1>, vector<16xf32>
      %get3A_1152 = arith.constant 192 : index
      %get3A_1153 = tpu.vector_load %arg6[%get3A_1152] {strides = array<i32>} : memref<256xf32, #tpu.memory_space<vmem>>, vector<16xf32>,
      %get3A_1154 = vector.shape_cast %get3A_1153 : vector<16xf32> to vector<16xf32>
      %get3A_1155 = arith.constant 208 : index
      %get3A_1156 = tpu.vector_load %arg6[%get3A_1155] {strides = array<i32>} : memref<256xf32, #tpu.memory_space<vmem>>, vector<16xf32>,
      %get3A_1157 = vector.shape_cast %get3A_1156 : vector<16xf32> to vector<16xf32>
      %add3A_1158 = arith.addf %select_n3A_1151, %get3A_1154 : vector<16xf32>
      %div3A_1159 = arith.constant 5.000000e-01 : f32
      %div3A_1160 = vector.broadcast %div3A_1159 : f32 to vector<16xf32>
      %div3A_1161 = arith.divf %add3A_1158, %div3A_1160 : vector<16xf32>
      %exp3A_1162 = math.exp %div3A_1161 : vector<16xf32>
      %xor3A_1163 = arith.constant 8 : i32
      %xor3A_1164 = vector.broadcast %xor3A_1163 : i32 to vector<16xi32>
      %xor3A_1165 = arith.xori %iota3A, %xor3A_1164 : vector<16xi32>
      %broadcast_in_dim3A_1166 = vector.shape_cast %xor3A_1165 : vector<16xi32> to vector<16x1xi32>
      %gather3A_1167 = vector.shape_cast %broadcast_in_dim3A_1166 : vector<16x1xi32> to vector<16xi32>
      %gather3A_1168 = tpu.dynamic_gather %exp3A_1162[%gather3A_1167] in [0] : vector<16xf32>, vector<16xi32> -> vector<16xf32>
      %add3A_1169 = arith.addf %exp3A_1162, %gather3A_1168 : vector<16xf32>
      %xor3A_1170 = arith.constant 4 : i32
      %xor3A_1171 = vector.broadcast %xor3A_1170 : i32 to vector<16xi32>
      %xor3A_1172 = arith.xori %iota3A, %xor3A_1171 : vector<16xi32>
      %broadcast_in_dim3A_1173 = vector.shape_cast %xor3A_1172 : vector<16xi32> to vector<16x1xi32>
      %gather3A_1174 = vector.shape_cast %broadcast_in_dim3A_1173 : vector<16x1xi32> to vector<16xi32>
      %gather3A_1175 = tpu.dynamic_gather %add3A_1169[%gather3A_1174] in [0] : vector<16xf32>, vector<16xi32> -> vector<16xf32>
      %add3A_1176 = arith.addf %add3A_1169, %gather3A_1175 : vector<16xf32>
      %xor3A_1177 = arith.constant 2 : i32
      %xor3A_1178 = vector.broadcast %xor3A_1177 : i32 to vector<16xi32>
      %xor3A_1179 = arith.xori %iota3A, %xor3A_1178 : vector<16xi32>
      %broadcast_in_dim3A_1180 = vector.shape_cast %xor3A_1179 : vector<16xi32> to vector<16x1xi32>
      %gather3A_1181 = vector.shape_cast %broadcast_in_dim3A_1180 : vector<16x1xi32> to vector<16xi32>
      %gather3A_1182 = tpu.dynamic_gather %add3A_1176[%gather3A_1181] in [0] : vector<16xf32>, vector<16xi32> -> vector<16xf32>
      %add3A_1183 = arith.addf %add3A_1176, %gather3A_1182 : vector<16xf32>
      %xor3A_1184 = arith.constant 1 : i32
      %xor3A_1185 = vector.broadcast %xor3A_1184 : i32 to vector<16xi32>
      %xor3A_1186 = arith.xori %iota3A, %xor3A_1185 : vector<16xi32>
      %broadcast_in_dim3A_1187 = vector.shape_cast %xor3A_1186 : vector<16xi32> to vector<16x1xi32>
      %gather3A_1188 = vector.shape_cast %broadcast_in_dim3A_1187 : vector<16x1xi32> to vector<16xi32>
      %gather3A_1189 = tpu.dynamic_gather %add3A_1183[%gather3A_1188] in [0] : vector<16xf32>, vector<16xi32> -> vector<16xf32>
      %add3A_1190 = arith.addf %add3A_1183, %gather3A_1189 : vector<16xf32>
      %div3A_1191 = arith.divf %exp3A_1162, %add3A_1190 : vector<16xf32>
      %add3A_1192 = arith.constant 1.000000e-07 : f32
      %add3A_1193 = vector.broadcast %add3A_1192 : f32 to vector<16xf32>
      %add3A_1194 = arith.addf %div3A_1191, %add3A_1193 : vector<16xf32>
      %mul3A_1195 = arith.mulf %add3A_1194, %get3A_1157 : vector<16xf32>
      %xor3A_1196 = arith.constant 8 : i32
      %xor3A_1197 = vector.broadcast %xor3A_1196 : i32 to vector<16xi32>
      %xor3A_1198 = arith.xori %iota3A, %xor3A_1197 : vector<16xi32>
      %broadcast_in_dim3A_1199 = vector.shape_cast %xor3A_1198 : vector<16xi32> to vector<16x1xi32>
      %gather3A_1200 = vector.shape_cast %broadcast_in_dim3A_1199 : vector<16x1xi32> to vector<16xi32>
      %gather3A_1201 = tpu.dynamic_gather %mul3A_1195[%gather3A_1200] in [0] : vector<16xf32>, vector<16xi32> -> vector<16xf32>
      %max3A_1202 = arith.maximumf %mul3A_1195, %gather3A_1201 : vector<16xf32>
      %xor3A_1203 = arith.constant 4 : i32
      %xor3A_1204 = vector.broadcast %xor3A_1203 : i32 to vector<16xi32>
      %xor3A_1205 = arith.xori %iota3A, %xor3A_1204 : vector<16xi32>
      %broadcast_in_dim3A_1206 = vector.shape_cast %xor3A_1205 : vector<16xi32> to vector<16x1xi32>
      %gather3A_1207 = vector.shape_cast %broadcast_in_dim3A_1206 : vector<16x1xi32> to vector<16xi32>
      %gather3A_1208 = tpu.dynamic_gather %max3A_1202[%gather3A_1207] in [0] : vector<16xf32>, vector<16xi32> -> vector<16xf32>
      %max3A_1209 = arith.maximumf %max3A_1202, %gather3A_1208 : vector<16xf32>
      %xor3A_1210 = arith.constant 2 : i32
      %xor3A_1211 = vector.broadcast %xor3A_1210 : i32 to vector<16xi32>
      %xor3A_1212 = arith.xori %iota3A, %xor3A_1211 : vector<16xi32>
      %broadcast_in_dim3A_1213 = vector.shape_cast %xor3A_1212 : vector<16xi32> to vector<16x1xi32>
      %gather3A_1214 = vector.shape_cast %broadcast_in_dim3A_1213 : vector<16x1xi32> to vector<16xi32>
      %gather3A_1215 = tpu.dynamic_gather %max3A_1209[%gather3A_1214] in [0] : vector<16xf32>, vector<16xi32> -> vector<16xf32>
      %max3A_1216 = arith.maximumf %max3A_1209, %gather3A_1215 : vector<16xf32>
      %xor3A_1217 = arith.constant 1 : i32
      %xor3A_1218 = vector.broadcast %xor3A_1217 : i32 to vector<16xi32>
      %xor3A_1219 = arith.xori %iota3A, %xor3A_1218 : vector<16xi32>
      %broadcast_in_dim3A_1220 = vector.shape_cast %xor3A_1219 : vector<16xi32> to vector<16x1xi32>
      %gather3A_1221 = vector.shape_cast %broadcast_in_dim3A_1220 : vector<16x1xi32> to vector<16xi32>
      %gather3A_1222 = tpu.dynamic_gather %max3A_1216[%gather3A_1221] in [0] : vector<16xf32>, vector<16xi32> -> vector<16xf32>
      %max3A_1223 = arith.maximumf %max3A_1216, %gather3A_1222 : vector<16xf32>
      %eq3A_1224 = arith.cmpf oeq, %mul3A_1195, %max3A_1223 : vector<16xf32>
      %jit3A_1225 = arith.constant 16 : i32
      %broadcast_in_dim3A_1226 = vector.broadcast %jit3A_1225 : i32 to vector<16xi32>
      %select_n3A_1227 = arith.select %eq3A_1224, %iota3A, %broadcast_in_dim3A_1226 : vector<16xi1>, vector<16xi32>
      %xor3A_1228 = arith.constant 8 : i32
      %xor3A_1229 = vector.broadcast %xor3A_1228 : i32 to vector<16xi32>
      %xor3A_1230 = arith.xori %iota3A, %xor3A_1229 : vector<16xi32>
      %broadcast_in_dim3A_1231 = vector.shape_cast %xor3A_1230 : vector<16xi32> to vector<16x1xi32>
      %gather3A_1232 = vector.shape_cast %broadcast_in_dim3A_1231 : vector<16x1xi32> to vector<16xi32>
      %gather3A_1233 = tpu.dynamic_gather %select_n3A_1227[%gather3A_1232] in [0] : vector<16xi32>, vector<16xi32> -> vector<16xi32>
      %min3A_1234 = arith.minsi %select_n3A_1227, %gather3A_1233 : vector<16xi32>
      %xor3A_1235 = arith.constant 4 : i32
      %xor3A_1236 = vector.broadcast %xor3A_1235 : i32 to vector<16xi32>
      %xor3A_1237 = arith.xori %iota3A, %xor3A_1236 : vector<16xi32>
      %broadcast_in_dim3A_1238 = vector.shape_cast %xor3A_1237 : vector<16xi32> to vector<16x1xi32>
      %gather3A_1239 = vector.shape_cast %broadcast_in_dim3A_1238 : vector<16x1xi32> to vector<16xi32>
      %gather3A_1240 = tpu.dynamic_gather %min3A_1234[%gather3A_1239] in [0] : vector<16xi32>, vector<16xi32> -> vector<16xi32>
      %min3A_1241 = arith.minsi %min3A_1234, %gather3A_1240 : vector<16xi32>
      %xor3A_1242 = arith.constant 2 : i32
      %xor3A_1243 = vector.broadcast %xor3A_1242 : i32 to vector<16xi32>
      %xor3A_1244 = arith.xori %iota3A, %xor3A_1243 : vector<16xi32>
      %broadcast_in_dim3A_1245 = vector.shape_cast %xor3A_1244 : vector<16xi32> to vector<16x1xi32>
      %gather3A_1246 = vector.shape_cast %broadcast_in_dim3A_1245 : vector<16x1xi32> to vector<16xi32>
      %gather3A_1247 = tpu.dynamic_gather %min3A_1241[%gather3A_1246] in [0] : vector<16xi32>, vector<16xi32> -> vector<16xi32>
      %min3A_1248 = arith.minsi %min3A_1241, %gather3A_1247 : vector<16xi32>
      %xor3A_1249 = arith.constant 1 : i32
      %xor3A_1250 = vector.broadcast %xor3A_1249 : i32 to vector<16xi32>
      %xor3A_1251 = arith.xori %iota3A, %xor3A_1250 : vector<16xi32>
      %broadcast_in_dim3A_1252 = vector.shape_cast %xor3A_1251 : vector<16xi32> to vector<16x1xi32>
      %gather3A_1253 = vector.shape_cast %broadcast_in_dim3A_1252 : vector<16x1xi32> to vector<16xi32>
      %gather3A_1254 = tpu.dynamic_gather %min3A_1248[%gather3A_1253] in [0] : vector<16xi32>, vector<16xi32> -> vector<16xi32>
      %min3A_1255 = arith.minsi %min3A_1248, %gather3A_1254 : vector<16xi32>
      %eq3A_1256 = arith.cmpi eq, %iota3A, %min3A_1255 : vector<16xi32>
      %jit3A_1257 = arith.constant -1.000000e+00 : f32
      %broadcast_in_dim3A_1258 = vector.broadcast %jit3A_1257 : f32 to vector<16xf32>
      %select_n3A_1259 = arith.select %eq3A_1256, %broadcast_in_dim3A_1258, %mul3A_1195 : vector<16xi1>, vector<16xf32>
      %xor3A_1260 = arith.constant 8 : i32
      %xor3A_1261 = vector.broadcast %xor3A_1260 : i32 to vector<16xi32>
      %xor3A_1262 = arith.xori %iota3A, %xor3A_1261 : vector<16xi32>
      %broadcast_in_dim3A_1263 = vector.shape_cast %xor3A_1262 : vector<16xi32> to vector<16x1xi32>
      %gather3A_1264 = vector.shape_cast %broadcast_in_dim3A_1263 : vector<16x1xi32> to vector<16xi32>
      %gather3A_1265 = tpu.dynamic_gather %select_n3A_1259[%gather3A_1264] in [0] : vector<16xf32>, vector<16xi32> -> vector<16xf32>
      %max3A_1266 = arith.maximumf %select_n3A_1259, %gather3A_1265 : vector<16xf32>
      %xor3A_1267 = arith.constant 4 : i32
      %xor3A_1268 = vector.broadcast %xor3A_1267 : i32 to vector<16xi32>
      %xor3A_1269 = arith.xori %iota3A, %xor3A_1268 : vector<16xi32>
      %broadcast_in_dim3A_1270 = vector.shape_cast %xor3A_1269 : vector<16xi32> to vector<16x1xi32>
      %gather3A_1271 = vector.shape_cast %broadcast_in_dim3A_1270 : vector<16x1xi32> to vector<16xi32>
      %gather3A_1272 = tpu.dynamic_gather %max3A_1266[%gather3A_1271] in [0] : vector<16xf32>, vector<16xi32> -> vector<16xf32>
      %max3A_1273 = arith.maximumf %max3A_1266, %gather3A_1272 : vector<16xf32>
      %xor3A_1274 = arith.constant 2 : i32
      %xor3A_1275 = vector.broadcast %xor3A_1274 : i32 to vector<16xi32>
      %xor3A_1276 = arith.xori %iota3A, %xor3A_1275 : vector<16xi32>
      %broadcast_in_dim3A_1277 = vector.shape_cast %xor3A_1276 : vector<16xi32> to vector<16x1xi32>
      %gather3A_1278 = vector.shape_cast %broadcast_in_dim3A_1277 : vector<16x1xi32> to vector<16xi32>
      %gather3A_1279 = tpu.dynamic_gather %max3A_1273[%gather3A_1278] in [0] : vector<16xf32>, vector<16xi32> -> vector<16xf32>
      %max3A_1280 = arith.maximumf %max3A_1273, %gather3A_1279 : vector<16xf32>
      %xor3A_1281 = arith.constant 1 : i32
      %xor3A_1282 = vector.broadcast %xor3A_1281 : i32 to vector<16xi32>
      %xor3A_1283 = arith.xori %iota3A, %xor3A_1282 : vector<16xi32>
      %broadcast_in_dim3A_1284 = vector.shape_cast %xor3A_1283 : vector<16xi32> to vector<16x1xi32>
      %gather3A_1285 = vector.shape_cast %broadcast_in_dim3A_1284 : vector<16x1xi32> to vector<16xi32>
      %gather3A_1286 = tpu.dynamic_gather %max3A_1280[%gather3A_1285] in [0] : vector<16xf32>, vector<16xi32> -> vector<16xf32>
      %max3A_1287 = arith.maximumf %max3A_1280, %gather3A_1286 : vector<16xf32>
      %eq3A_1288 = arith.cmpf oeq, %select_n3A_1259, %max3A_1287 : vector<16xf32>
      %jit3A_1289 = arith.constant 16 : i32
      %broadcast_in_dim3A_1290 = vector.broadcast %jit3A_1289 : i32 to vector<16xi32>
      %select_n3A_1291 = arith.select %eq3A_1288, %iota3A, %broadcast_in_dim3A_1290 : vector<16xi1>, vector<16xi32>
      %xor3A_1292 = arith.constant 8 : i32
      %xor3A_1293 = vector.broadcast %xor3A_1292 : i32 to vector<16xi32>
      %xor3A_1294 = arith.xori %iota3A, %xor3A_1293 : vector<16xi32>
      %broadcast_in_dim3A_1295 = vector.shape_cast %xor3A_1294 : vector<16xi32> to vector<16x1xi32>
      %gather3A_1296 = vector.shape_cast %broadcast_in_dim3A_1295 : vector<16x1xi32> to vector<16xi32>
      %gather3A_1297 = tpu.dynamic_gather %select_n3A_1291[%gather3A_1296] in [0] : vector<16xi32>, vector<16xi32> -> vector<16xi32>
      %min3A_1298 = arith.minsi %select_n3A_1291, %gather3A_1297 : vector<16xi32>
      %xor3A_1299 = arith.constant 4 : i32
      %xor3A_1300 = vector.broadcast %xor3A_1299 : i32 to vector<16xi32>
      %xor3A_1301 = arith.xori %iota3A, %xor3A_1300 : vector<16xi32>
      %broadcast_in_dim3A_1302 = vector.shape_cast %xor3A_1301 : vector<16xi32> to vector<16x1xi32>
      %gather3A_1303 = vector.shape_cast %broadcast_in_dim3A_1302 : vector<16x1xi32> to vector<16xi32>
      %gather3A_1304 = tpu.dynamic_gather %min3A_1298[%gather3A_1303] in [0] : vector<16xi32>, vector<16xi32> -> vector<16xi32>
      %min3A_1305 = arith.minsi %min3A_1298, %gather3A_1304 : vector<16xi32>
      %xor3A_1306 = arith.constant 2 : i32
      %xor3A_1307 = vector.broadcast %xor3A_1306 : i32 to vector<16xi32>
      %xor3A_1308 = arith.xori %iota3A, %xor3A_1307 : vector<16xi32>
      %broadcast_in_dim3A_1309 = vector.shape_cast %xor3A_1308 : vector<16xi32> to vector<16x1xi32>
      %gather3A_1310 = vector.shape_cast %broadcast_in_dim3A_1309 : vector<16x1xi32> to vector<16xi32>
      %gather3A_1311 = tpu.dynamic_gather %min3A_1305[%gather3A_1310] in [0] : vector<16xi32>, vector<16xi32> -> vector<16xi32>
      %min3A_1312 = arith.minsi %min3A_1305, %gather3A_1311 : vector<16xi32>
      %xor3A_1313 = arith.constant 1 : i32
      %xor3A_1314 = vector.broadcast %xor3A_1313 : i32 to vector<16xi32>
      %xor3A_1315 = arith.xori %iota3A, %xor3A_1314 : vector<16xi32>
      %broadcast_in_dim3A_1316 = vector.shape_cast %xor3A_1315 : vector<16xi32> to vector<16x1xi32>
      %gather3A_1317 = vector.shape_cast %broadcast_in_dim3A_1316 : vector<16x1xi32> to vector<16xi32>
      %gather3A_1318 = tpu.dynamic_gather %min3A_1312[%gather3A_1317] in [0] : vector<16xi32>, vector<16xi32> -> vector<16xi32>
      %min3A_1319 = arith.minsi %min3A_1312, %gather3A_1318 : vector<16xi32>
      %eq3A_1320 = arith.constant 12 : i32
      %eq3A_1321 = vector.broadcast %eq3A_1320 : i32 to vector<16xi32>
      %eq3A_1322 = arith.cmpi eq, %iota3A, %eq3A_1321 : vector<16xi32>
      %select_n3A_1323 = arith.select %eq3A_1322, %min3A_1255, %select_n3A_1138 : vector<16xi1>, vector<16xi32>
      %eq3A_1324 = arith.constant 13 : i32
      %eq3A_1325 = vector.broadcast %eq3A_1324 : i32 to vector<16xi32>
      %eq3A_1326 = arith.cmpi eq, %iota3A, %eq3A_1325 : vector<16xi32>
      %select_n3A_1327 = arith.select %eq3A_1326, %min3A_1319, %select_n3A_1323 : vector<16xi1>, vector<16xi32>
      %add3A_1328 = arith.constant 7 : i32
      %add3A_1329 = arith.addi %mul3A_15, %add3A_1328 : i32
      %mul3A_1330 = arith.constant 9 : i32
      %mul3A_1331 = arith.muli %add3A_1329, %mul3A_1330 : i32
      %get3A_1332 = arith.index_cast %mul3A_1331 : i32 to index
      %get3A_1333 = tpu.vector_load %arg5[%get3A_1332] {strides = array<i32>} : memref<944xf32, #tpu.memory_space<vmem>>, vector<16xf32>,
      %get3A_1334 = vector.shape_cast %get3A_1333 : vector<16xf32> to vector<16xf32>
      %lt3A_1335 = arith.constant 9 : i32
      %lt3A_1336 = vector.broadcast %lt3A_1335 : i32 to vector<16xi32>
      %lt3A_1337 = arith.cmpi slt, %iota3A, %lt3A_1336 : vector<16xi32>
      %jit3A_1338 = arith.constant 0.000000e+00 : f32
      %broadcast_in_dim3A_1339 = vector.broadcast %jit3A_1338 : f32 to vector<16xf32>
      %select_n3A_1340 = arith.select %lt3A_1337, %get3A_1334, %broadcast_in_dim3A_1339 : vector<16xi1>, vector<16xf32>
      %get3A_1341 = arith.constant 224 : index
      %get3A_1342 = tpu.vector_load %arg6[%get3A_1341] {strides = array<i32>} : memref<256xf32, #tpu.memory_space<vmem>>, vector<16xf32>,
      %get3A_1343 = vector.shape_cast %get3A_1342 : vector<16xf32> to vector<16xf32>
      %get3A_1344 = arith.constant 240 : index
      %get3A_1345 = tpu.vector_load %arg6[%get3A_1344] {strides = array<i32>} : memref<256xf32, #tpu.memory_space<vmem>>, vector<16xf32>,
      %get3A_1346 = vector.shape_cast %get3A_1345 : vector<16xf32> to vector<16xf32>
      %add3A_1347 = arith.addf %select_n3A_1340, %get3A_1343 : vector<16xf32>
      %div3A_1348 = arith.constant 5.000000e-01 : f32
      %div3A_1349 = vector.broadcast %div3A_1348 : f32 to vector<16xf32>
      %div3A_1350 = arith.divf %add3A_1347, %div3A_1349 : vector<16xf32>
      %exp3A_1351 = math.exp %div3A_1350 : vector<16xf32>
      %xor3A_1352 = arith.constant 8 : i32
      %xor3A_1353 = vector.broadcast %xor3A_1352 : i32 to vector<16xi32>
      %xor3A_1354 = arith.xori %iota3A, %xor3A_1353 : vector<16xi32>
      %broadcast_in_dim3A_1355 = vector.shape_cast %xor3A_1354 : vector<16xi32> to vector<16x1xi32>
      %gather3A_1356 = vector.shape_cast %broadcast_in_dim3A_1355 : vector<16x1xi32> to vector<16xi32>
      %gather3A_1357 = tpu.dynamic_gather %exp3A_1351[%gather3A_1356] in [0] : vector<16xf32>, vector<16xi32> -> vector<16xf32>
      %add3A_1358 = arith.addf %exp3A_1351, %gather3A_1357 : vector<16xf32>
      %xor3A_1359 = arith.constant 4 : i32
      %xor3A_1360 = vector.broadcast %xor3A_1359 : i32 to vector<16xi32>
      %xor3A_1361 = arith.xori %iota3A, %xor3A_1360 : vector<16xi32>
      %broadcast_in_dim3A_1362 = vector.shape_cast %xor3A_1361 : vector<16xi32> to vector<16x1xi32>
      %gather3A_1363 = vector.shape_cast %broadcast_in_dim3A_1362 : vector<16x1xi32> to vector<16xi32>
      %gather3A_1364 = tpu.dynamic_gather %add3A_1358[%gather3A_1363] in [0] : vector<16xf32>, vector<16xi32> -> vector<16xf32>
      %add3A_1365 = arith.addf %add3A_1358, %gather3A_1364 : vector<16xf32>
      %xor3A_1366 = arith.constant 2 : i32
      %xor3A_1367 = vector.broadcast %xor3A_1366 : i32 to vector<16xi32>
      %xor3A_1368 = arith.xori %iota3A, %xor3A_1367 : vector<16xi32>
      %broadcast_in_dim3A_1369 = vector.shape_cast %xor3A_1368 : vector<16xi32> to vector<16x1xi32>
      %gather3A_1370 = vector.shape_cast %broadcast_in_dim3A_1369 : vector<16x1xi32> to vector<16xi32>
      %gather3A_1371 = tpu.dynamic_gather %add3A_1365[%gather3A_1370] in [0] : vector<16xf32>, vector<16xi32> -> vector<16xf32>
      %add3A_1372 = arith.addf %add3A_1365, %gather3A_1371 : vector<16xf32>
      %xor3A_1373 = arith.constant 1 : i32
      %xor3A_1374 = vector.broadcast %xor3A_1373 : i32 to vector<16xi32>
      %xor3A_1375 = arith.xori %iota3A, %xor3A_1374 : vector<16xi32>
      %broadcast_in_dim3A_1376 = vector.shape_cast %xor3A_1375 : vector<16xi32> to vector<16x1xi32>
      %gather3A_1377 = vector.shape_cast %broadcast_in_dim3A_1376 : vector<16x1xi32> to vector<16xi32>
      %gather3A_1378 = tpu.dynamic_gather %add3A_1372[%gather3A_1377] in [0] : vector<16xf32>, vector<16xi32> -> vector<16xf32>
      %add3A_1379 = arith.addf %add3A_1372, %gather3A_1378 : vector<16xf32>
      %div3A_1380 = arith.divf %exp3A_1351, %add3A_1379 : vector<16xf32>
      %add3A_1381 = arith.constant 1.000000e-07 : f32
      %add3A_1382 = vector.broadcast %add3A_1381 : f32 to vector<16xf32>
      %add3A_1383 = arith.addf %div3A_1380, %add3A_1382 : vector<16xf32>
      %mul3A_1384 = arith.mulf %add3A_1383, %get3A_1346 : vector<16xf32>
      %xor3A_1385 = arith.constant 8 : i32
      %xor3A_1386 = vector.broadcast %xor3A_1385 : i32 to vector<16xi32>
      %xor3A_1387 = arith.xori %iota3A, %xor3A_1386 : vector<16xi32>
      %broadcast_in_dim3A_1388 = vector.shape_cast %xor3A_1387 : vector<16xi32> to vector<16x1xi32>
      %gather3A_1389 = vector.shape_cast %broadcast_in_dim3A_1388 : vector<16x1xi32> to vector<16xi32>
      %gather3A_1390 = tpu.dynamic_gather %mul3A_1384[%gather3A_1389] in [0] : vector<16xf32>, vector<16xi32> -> vector<16xf32>
      %max3A_1391 = arith.maximumf %mul3A_1384, %gather3A_1390 : vector<16xf32>
      %xor3A_1392 = arith.constant 4 : i32
      %xor3A_1393 = vector.broadcast %xor3A_1392 : i32 to vector<16xi32>
      %xor3A_1394 = arith.xori %iota3A, %xor3A_1393 : vector<16xi32>
      %broadcast_in_dim3A_1395 = vector.shape_cast %xor3A_1394 : vector<16xi32> to vector<16x1xi32>
      %gather3A_1396 = vector.shape_cast %broadcast_in_dim3A_1395 : vector<16x1xi32> to vector<16xi32>
      %gather3A_1397 = tpu.dynamic_gather %max3A_1391[%gather3A_1396] in [0] : vector<16xf32>, vector<16xi32> -> vector<16xf32>
      %max3A_1398 = arith.maximumf %max3A_1391, %gather3A_1397 : vector<16xf32>
      %xor3A_1399 = arith.constant 2 : i32
      %xor3A_1400 = vector.broadcast %xor3A_1399 : i32 to vector<16xi32>
      %xor3A_1401 = arith.xori %iota3A, %xor3A_1400 : vector<16xi32>
      %broadcast_in_dim3A_1402 = vector.shape_cast %xor3A_1401 : vector<16xi32> to vector<16x1xi32>
      %gather3A_1403 = vector.shape_cast %broadcast_in_dim3A_1402 : vector<16x1xi32> to vector<16xi32>
      %gather3A_1404 = tpu.dynamic_gather %max3A_1398[%gather3A_1403] in [0] : vector<16xf32>, vector<16xi32> -> vector<16xf32>
      %max3A_1405 = arith.maximumf %max3A_1398, %gather3A_1404 : vector<16xf32>
      %xor3A_1406 = arith.constant 1 : i32
      %xor3A_1407 = vector.broadcast %xor3A_1406 : i32 to vector<16xi32>
      %xor3A_1408 = arith.xori %iota3A, %xor3A_1407 : vector<16xi32>
      %broadcast_in_dim3A_1409 = vector.shape_cast %xor3A_1408 : vector<16xi32> to vector<16x1xi32>
      %gather3A_1410 = vector.shape_cast %broadcast_in_dim3A_1409 : vector<16x1xi32> to vector<16xi32>
      %gather3A_1411 = tpu.dynamic_gather %max3A_1405[%gather3A_1410] in [0] : vector<16xf32>, vector<16xi32> -> vector<16xf32>
      %max3A_1412 = arith.maximumf %max3A_1405, %gather3A_1411 : vector<16xf32>
      %eq3A_1413 = arith.cmpf oeq, %mul3A_1384, %max3A_1412 : vector<16xf32>
      %jit3A_1414 = arith.constant 16 : i32
      %broadcast_in_dim3A_1415 = vector.broadcast %jit3A_1414 : i32 to vector<16xi32>
      %select_n3A_1416 = arith.select %eq3A_1413, %iota3A, %broadcast_in_dim3A_1415 : vector<16xi1>, vector<16xi32>
      %xor3A_1417 = arith.constant 8 : i32
      %xor3A_1418 = vector.broadcast %xor3A_1417 : i32 to vector<16xi32>
      %xor3A_1419 = arith.xori %iota3A, %xor3A_1418 : vector<16xi32>
      %broadcast_in_dim3A_1420 = vector.shape_cast %xor3A_1419 : vector<16xi32> to vector<16x1xi32>
      %gather3A_1421 = vector.shape_cast %broadcast_in_dim3A_1420 : vector<16x1xi32> to vector<16xi32>
      %gather3A_1422 = tpu.dynamic_gather %select_n3A_1416[%gather3A_1421] in [0] : vector<16xi32>, vector<16xi32> -> vector<16xi32>
      %min3A_1423 = arith.minsi %select_n3A_1416, %gather3A_1422 : vector<16xi32>
      %xor3A_1424 = arith.constant 4 : i32
      %xor3A_1425 = vector.broadcast %xor3A_1424 : i32 to vector<16xi32>
      %xor3A_1426 = arith.xori %iota3A, %xor3A_1425 : vector<16xi32>
      %broadcast_in_dim3A_1427 = vector.shape_cast %xor3A_1426 : vector<16xi32> to vector<16x1xi32>
      %gather3A_1428 = vector.shape_cast %broadcast_in_dim3A_1427 : vector<16x1xi32> to vector<16xi32>
      %gather3A_1429 = tpu.dynamic_gather %min3A_1423[%gather3A_1428] in [0] : vector<16xi32>, vector<16xi32> -> vector<16xi32>
      %min3A_1430 = arith.minsi %min3A_1423, %gather3A_1429 : vector<16xi32>
      %xor3A_1431 = arith.constant 2 : i32
      %xor3A_1432 = vector.broadcast %xor3A_1431 : i32 to vector<16xi32>
      %xor3A_1433 = arith.xori %iota3A, %xor3A_1432 : vector<16xi32>
      %broadcast_in_dim3A_1434 = vector.shape_cast %xor3A_1433 : vector<16xi32> to vector<16x1xi32>
      %gather3A_1435 = vector.shape_cast %broadcast_in_dim3A_1434 : vector<16x1xi32> to vector<16xi32>
      %gather3A_1436 = tpu.dynamic_gather %min3A_1430[%gather3A_1435] in [0] : vector<16xi32>, vector<16xi32> -> vector<16xi32>
      %min3A_1437 = arith.minsi %min3A_1430, %gather3A_1436 : vector<16xi32>
      %xor3A_1438 = arith.constant 1 : i32
      %xor3A_1439 = vector.broadcast %xor3A_1438 : i32 to vector<16xi32>
      %xor3A_1440 = arith.xori %iota3A, %xor3A_1439 : vector<16xi32>
      %broadcast_in_dim3A_1441 = vector.shape_cast %xor3A_1440 : vector<16xi32> to vector<16x1xi32>
      %gather3A_1442 = vector.shape_cast %broadcast_in_dim3A_1441 : vector<16x1xi32> to vector<16xi32>
      %gather3A_1443 = tpu.dynamic_gather %min3A_1437[%gather3A_1442] in [0] : vector<16xi32>, vector<16xi32> -> vector<16xi32>
      %min3A_1444 = arith.minsi %min3A_1437, %gather3A_1443 : vector<16xi32>
      %eq3A_1445 = arith.cmpi eq, %iota3A, %min3A_1444 : vector<16xi32>
      %jit3A_1446 = arith.constant -1.000000e+00 : f32
      %broadcast_in_dim3A_1447 = vector.broadcast %jit3A_1446 : f32 to vector<16xf32>
      %select_n3A_1448 = arith.select %eq3A_1445, %broadcast_in_dim3A_1447, %mul3A_1384 : vector<16xi1>, vector<16xf32>
      %xor3A_1449 = arith.constant 8 : i32
      %xor3A_1450 = vector.broadcast %xor3A_1449 : i32 to vector<16xi32>
      %xor3A_1451 = arith.xori %iota3A, %xor3A_1450 : vector<16xi32>
      %broadcast_in_dim3A_1452 = vector.shape_cast %xor3A_1451 : vector<16xi32> to vector<16x1xi32>
      %gather3A_1453 = vector.shape_cast %broadcast_in_dim3A_1452 : vector<16x1xi32> to vector<16xi32>
      %gather3A_1454 = tpu.dynamic_gather %select_n3A_1448[%gather3A_1453] in [0] : vector<16xf32>, vector<16xi32> -> vector<16xf32>
      %max3A_1455 = arith.maximumf %select_n3A_1448, %gather3A_1454 : vector<16xf32>
      %xor3A_1456 = arith.constant 4 : i32
      %xor3A_1457 = vector.broadcast %xor3A_1456 : i32 to vector<16xi32>
      %xor3A_1458 = arith.xori %iota3A, %xor3A_1457 : vector<16xi32>
      %broadcast_in_dim3A_1459 = vector.shape_cast %xor3A_1458 : vector<16xi32> to vector<16x1xi32>
      %gather3A_1460 = vector.shape_cast %broadcast_in_dim3A_1459 : vector<16x1xi32> to vector<16xi32>
      %gather3A_1461 = tpu.dynamic_gather %max3A_1455[%gather3A_1460] in [0] : vector<16xf32>, vector<16xi32> -> vector<16xf32>
      %max3A_1462 = arith.maximumf %max3A_1455, %gather3A_1461 : vector<16xf32>
      %xor3A_1463 = arith.constant 2 : i32
      %xor3A_1464 = vector.broadcast %xor3A_1463 : i32 to vector<16xi32>
      %xor3A_1465 = arith.xori %iota3A, %xor3A_1464 : vector<16xi32>
      %broadcast_in_dim3A_1466 = vector.shape_cast %xor3A_1465 : vector<16xi32> to vector<16x1xi32>
      %gather3A_1467 = vector.shape_cast %broadcast_in_dim3A_1466 : vector<16x1xi32> to vector<16xi32>
      %gather3A_1468 = tpu.dynamic_gather %max3A_1462[%gather3A_1467] in [0] : vector<16xf32>, vector<16xi32> -> vector<16xf32>
      %max3A_1469 = arith.maximumf %max3A_1462, %gather3A_1468 : vector<16xf32>
      %xor3A_1470 = arith.constant 1 : i32
      %xor3A_1471 = vector.broadcast %xor3A_1470 : i32 to vector<16xi32>
      %xor3A_1472 = arith.xori %iota3A, %xor3A_1471 : vector<16xi32>
      %broadcast_in_dim3A_1473 = vector.shape_cast %xor3A_1472 : vector<16xi32> to vector<16x1xi32>
      %gather3A_1474 = vector.shape_cast %broadcast_in_dim3A_1473 : vector<16x1xi32> to vector<16xi32>
      %gather3A_1475 = tpu.dynamic_gather %max3A_1469[%gather3A_1474] in [0] : vector<16xf32>, vector<16xi32> -> vector<16xf32>
      %max3A_1476 = arith.maximumf %max3A_1469, %gather3A_1475 : vector<16xf32>
      %eq3A_1477 = arith.cmpf oeq, %select_n3A_1448, %max3A_1476 : vector<16xf32>
      %jit3A_1478 = arith.constant 16 : i32
      %broadcast_in_dim3A_1479 = vector.broadcast %jit3A_1478 : i32 to vector<16xi32>
      %select_n3A_1480 = arith.select %eq3A_1477, %iota3A, %broadcast_in_dim3A_1479 : vector<16xi1>, vector<16xi32>
      %xor3A_1481 = arith.constant 8 : i32
      %xor3A_1482 = vector.broadcast %xor3A_1481 : i32 to vector<16xi32>
      %xor3A_1483 = arith.xori %iota3A, %xor3A_1482 : vector<16xi32>
      %broadcast_in_dim3A_1484 = vector.shape_cast %xor3A_1483 : vector<16xi32> to vector<16x1xi32>
      %gather3A_1485 = vector.shape_cast %broadcast_in_dim3A_1484 : vector<16x1xi32> to vector<16xi32>
      %gather3A_1486 = tpu.dynamic_gather %select_n3A_1480[%gather3A_1485] in [0] : vector<16xi32>, vector<16xi32> -> vector<16xi32>
      %min3A_1487 = arith.minsi %select_n3A_1480, %gather3A_1486 : vector<16xi32>
      %xor3A_1488 = arith.constant 4 : i32
      %xor3A_1489 = vector.broadcast %xor3A_1488 : i32 to vector<16xi32>
      %xor3A_1490 = arith.xori %iota3A, %xor3A_1489 : vector<16xi32>
      %broadcast_in_dim3A_1491 = vector.shape_cast %xor3A_1490 : vector<16xi32> to vector<16x1xi32>
      %gather3A_1492 = vector.shape_cast %broadcast_in_dim3A_1491 : vector<16x1xi32> to vector<16xi32>
      %gather3A_1493 = tpu.dynamic_gather %min3A_1487[%gather3A_1492] in [0] : vector<16xi32>, vector<16xi32> -> vector<16xi32>
      %min3A_1494 = arith.minsi %min3A_1487, %gather3A_1493 : vector<16xi32>
      %xor3A_1495 = arith.constant 2 : i32
      %xor3A_1496 = vector.broadcast %xor3A_1495 : i32 to vector<16xi32>
      %xor3A_1497 = arith.xori %iota3A, %xor3A_1496 : vector<16xi32>
      %broadcast_in_dim3A_1498 = vector.shape_cast %xor3A_1497 : vector<16xi32> to vector<16x1xi32>
      %gather3A_1499 = vector.shape_cast %broadcast_in_dim3A_1498 : vector<16x1xi32> to vector<16xi32>
      %gather3A_1500 = tpu.dynamic_gather %min3A_1494[%gather3A_1499] in [0] : vector<16xi32>, vector<16xi32> -> vector<16xi32>
      %min3A_1501 = arith.minsi %min3A_1494, %gather3A_1500 : vector<16xi32>
      %xor3A_1502 = arith.constant 1 : i32
      %xor3A_1503 = vector.broadcast %xor3A_1502 : i32 to vector<16xi32>
      %xor3A_1504 = arith.xori %iota3A, %xor3A_1503 : vector<16xi32>
      %broadcast_in_dim3A_1505 = vector.shape_cast %xor3A_1504 : vector<16xi32> to vector<16x1xi32>
      %gather3A_1506 = vector.shape_cast %broadcast_in_dim3A_1505 : vector<16x1xi32> to vector<16xi32>
      %gather3A_1507 = tpu.dynamic_gather %min3A_1501[%gather3A_1506] in [0] : vector<16xi32>, vector<16xi32> -> vector<16xi32>
      %min3A_1508 = arith.minsi %min3A_1501, %gather3A_1507 : vector<16xi32>
      %eq3A_1509 = arith.constant 14 : i32
      %eq3A_1510 = vector.broadcast %eq3A_1509 : i32 to vector<16xi32>
      %eq3A_1511 = arith.cmpi eq, %iota3A, %eq3A_1510 : vector<16xi32>
      %select_n3A_1512 = arith.select %eq3A_1511, %min3A_1444, %select_n3A_1327 : vector<16xi1>, vector<16xi32>
      %eq3A_1513 = arith.constant 15 : i32
      %eq3A_1514 = vector.broadcast %eq3A_1513 : i32 to vector<16xi32>
      %eq3A_1515 = arith.cmpi eq, %iota3A, %eq3A_1514 : vector<16xi32>
      %select_n3A_1516 = arith.select %eq3A_1515, %min3A_1508, %select_n3A_1512 : vector<16xi1>, vector<16xi32>
      %swap3A = arith.constant 0 : index
      %swap3A_1517 = tpu.vector_load %arg7[%swap3A] {strides = array<i32>} : memref<16xi32, #tpu.memory_space<vmem>>, vector<16xi32>,
      %swap3A_1518 = vector.shape_cast %swap3A_1517 : vector<16xi32> to vector<16xi32>
      %swap3A_1519 = vector.shape_cast %select_n3A_1516 : vector<16xi32> to vector<16xi32>
      tpu.vector_store %arg7[%swap3A], %swap3A_1519 {strides = array<i32>} : memref<16xi32, #tpu.memory_space<vmem>>, vector<16xi32>,
      %lt3A_1520 = arith.constant 12 : i32
      %lt3A_1521 = arith.cmpi slt, %arg1, %lt3A_1520 : i32
      %convert_element_type3A_1522 = arith.extui %lt3A_1521 : i1 to i32
      %cond3A_1523 = arith.constant 0 : i32
      %cond3A_1524 = arith.cmpi ne, %convert_element_type3A_1522, %cond3A_1523 : i32
      scf.if %cond3A_1524 {
        %mul3A_1530 = arith.constant 8 : i32
        %mul3A_1531 = arith.muli %arg1, %mul3A_1530 : i32
        %mul3A_1532 = arith.constant 2 : i32
        %mul3A_1533 = arith.muli %mul3A_1531, %mul3A_1532 : i32
        "tpu.region"() ({
          %run_scoped3A = tpu.sem_alloc : memref<!tpu.dma_semaphore, #tpu.memory_space<semaphore_mem>>
          %dma_start3A_1534 = arith.constant 0 : i32
          %dma_start3A_1535 = tpu.memref_slice %arg7[%dma_start3A_1534] : memref<16xi32, #tpu.memory_space<vmem>> -> memref<16xi32, #tpu.memory_space<vmem>>
          %dma_start3A_1536 = tpu.memref_slice %arg4[%mul3A_1533] : memref<200xi32, #tpu.memory_space<hbm>> -> memref<16xi32, #tpu.memory_space<hbm>>
          %dma_start3A_1537 = tpu.memref_slice %arg4[%mul3A_1533] : memref<200xi32, #tpu.memory_space<hbm>> -> memref<16xi32, #tpu.memory_space<hbm>>
          %dma_start3A_1538 = arith.constant 0 : i32
          %dma_start3A_1539 = tpu.memref_slice %arg7[%dma_start3A_1538] : memref<16xi32, #tpu.memory_space<vmem>> -> memref<16xi32, #tpu.memory_space<vmem>>
          tpu.enqueue_dma source(%dma_start3A_1539 : memref<16xi32, #tpu.memory_space<vmem>>) target(%dma_start3A_1537 : memref<16xi32, #tpu.memory_space<hbm>>) target_semaphore(%run_scoped3A : memref<!tpu.dma_semaphore, #tpu.memory_space<semaphore_mem>>)
          %dma_wait3A_1540 = arith.constant 0 : i32
          %dma_wait3A_1541 = tpu.memref_slice %arg7[%dma_wait3A_1540] : memref<16xi32, #tpu.memory_space<vmem>> -> memref<16xi32, #tpu.memory_space<vmem>>
          %dma_wait3A_1542 = tpu.memref_slice %arg4[%mul3A_1533] : memref<200xi32, #tpu.memory_space<hbm>> -> memref<16xi32, #tpu.memory_space<hbm>>
          %dma_wait3A_1543 = tpu.memref_slice %arg4[%mul3A_1533] : memref<200xi32, #tpu.memory_space<hbm>> -> memref<16xi32, #tpu.memory_space<hbm>>
          %dma_wait3A_1544 = arith.constant 0 : i32
          %dma_wait3A_1545 = tpu.memref_slice %arg7[%dma_wait3A_1544] : memref<16xi32, #tpu.memory_space<vmem>> -> memref<16xi32, #tpu.memory_space<vmem>>
          tpu.wait_dma2 semaphore(%run_scoped3A : memref<!tpu.dma_semaphore, #tpu.memory_space<semaphore_mem>>) src(%dma_wait3A_1545 : memref<16xi32, #tpu.memory_space<vmem>>) dst(%dma_wait3A_1543 : memref<16xi32, #tpu.memory_space<hbm>>)
          tpu.yield
        }) : () -> ()
      } else {
      }
      %eq3A_1525 = arith.constant 12 : i32
      %eq3A_1526 = arith.cmpi eq, %arg1, %eq3A_1525 : i32
      %convert_element_type3A_1527 = arith.extui %eq3A_1526 : i1 to i32
      %cond3A_1528 = arith.constant 0 : i32
      %cond3A_1529 = arith.cmpi ne, %convert_element_type3A_1527, %cond3A_1528 : i32
      scf.if %cond3A_1529 {
        "tpu.region"() ({
          %run_scoped3A = tpu.sem_alloc : memref<!tpu.dma_semaphore, #tpu.memory_space<semaphore_mem>>
          %dma_start3A_1530 = arith.constant 0 : i32
          %dma_start3A_1531 = tpu.memref_slice %arg7[%dma_start3A_1530] : memref<16xi32, #tpu.memory_space<vmem>> -> memref<8xi32, #tpu.memory_space<vmem>>
          %dma_start3A_1532 = arith.constant 192 : i32
          %dma_start3A_1533 = tpu.memref_slice %arg4[%dma_start3A_1532] : memref<200xi32, #tpu.memory_space<hbm>> -> memref<8xi32, #tpu.memory_space<hbm>>
          %dma_start3A_1534 = arith.constant 192 : i32
          %dma_start3A_1535 = tpu.memref_slice %arg4[%dma_start3A_1534] : memref<200xi32, #tpu.memory_space<hbm>> -> memref<8xi32, #tpu.memory_space<hbm>>
          %dma_start3A_1536 = arith.constant 0 : i32
          %dma_start3A_1537 = tpu.memref_slice %arg7[%dma_start3A_1536] : memref<16xi32, #tpu.memory_space<vmem>> -> memref<8xi32, #tpu.memory_space<vmem>>
          tpu.enqueue_dma source(%dma_start3A_1537 : memref<8xi32, #tpu.memory_space<vmem>>) target(%dma_start3A_1535 : memref<8xi32, #tpu.memory_space<hbm>>) target_semaphore(%run_scoped3A : memref<!tpu.dma_semaphore, #tpu.memory_space<semaphore_mem>>)
          %dma_wait3A_1538 = arith.constant 0 : i32
          %dma_wait3A_1539 = tpu.memref_slice %arg7[%dma_wait3A_1538] : memref<16xi32, #tpu.memory_space<vmem>> -> memref<8xi32, #tpu.memory_space<vmem>>
          %dma_wait3A_1540 = arith.constant 192 : i32
          %dma_wait3A_1541 = tpu.memref_slice %arg4[%dma_wait3A_1540] : memref<200xi32, #tpu.memory_space<hbm>> -> memref<8xi32, #tpu.memory_space<hbm>>
          %dma_wait3A_1542 = arith.constant 192 : i32
          %dma_wait3A_1543 = tpu.memref_slice %arg4[%dma_wait3A_1542] : memref<200xi32, #tpu.memory_space<hbm>> -> memref<8xi32, #tpu.memory_space<hbm>>
          %dma_wait3A_1544 = arith.constant 0 : i32
          %dma_wait3A_1545 = tpu.memref_slice %arg7[%dma_wait3A_1544] : memref<16xi32, #tpu.memory_space<vmem>> -> memref<8xi32, #tpu.memory_space<vmem>>
          tpu.wait_dma2 semaphore(%run_scoped3A : memref<!tpu.dma_semaphore, #tpu.memory_space<semaphore_mem>>) src(%dma_wait3A_1545 : memref<8xi32, #tpu.memory_space<vmem>>) dst(%dma_wait3A_1543 : memref<8xi32, #tpu.memory_space<hbm>>)
          tpu.yield
        }) : () -> ()
      } else {
      }
    } else {
    }
    return
  }
}

</mosaic_0001>

<sc_bundles>
// kernel: kernel.3.cloned.1.call-start
scs
__scs_entry_jumppad:
0x0: {  	(pc) =	sbr.rel $0x88, $3  }
0x1: {  	(tag) =	ssettag $0x0;
	lr =	simm.s32 $0x1  }
0x2: {  	[smem:$0x3FA0] =	sst lr;
	_ =	strace $0xD0000000  }
0x3: {  	_ = 	snop  }
0x4: {  	_ = 	snop  }
0x5: {  	_ = 	snop  }
0x6: {  	_ = 	snop  }
0x7: {  	_ = 	snop  }
__scs_overlays_trampoline_lowered:
0x8: {  	[smem:$0x3FAF] =	sst s0  }
0x9: {  	[smem:$0x3FB0] =	sst s1  }
0xa: {  	[smem:$0x3FB1] =	sst s2  }
0xb: {  	[smem:$0x3FB2] =	sst s3  }
0xc: {  	[smem:$0x3FB3] =	sst s4  }
0xd: {  	[smem:$0x3FB4] =	sst s5  }
0xe: {  	[smem:$0x3FB5] =	sst s6  }
0xf: {  	[smem:$0x3FB6] =	sst s7  }
0x10: {  	[smem:$0x3FB7] =	sst s8  }
0x11: {  	[smem:$0x3FB8] =	sst s9;
	s0 =	simm.s32 @!p0 $0x0  }
0x12: {  	s1 =	sld [smem:$0x3F9E];
	s0 =	simm.s32 @p0 $0x1  }
0x13: {  	[smem:$0x3FB9] =	sst s0;
	s0 =	simm.s32 @!p1 $0x0  }
0x14: {  	s2 =	sld [smem:$0x3F9D];
	s0 =	simm.s32 @p1 $0x1  }
0x15: {  	[smem:$0x3FBA] =	sst s0;
	s0 =	simm.s32 @!p2 $0x0  }
0x16: {  	s3 =	sld [smem:$0x3FDB];
	s0 =	simm.s32 @p2 $0x1  }
0x17: {  	s4 =	simm.s32 $0x1BF5;
	[smem:$0x3FBC] =	sst s0  }
0x18: {  	s0 =	sld [smem:$0x3F9F];
	_ =	swait.ge [sflag:s4], $0x0  }
0x19: {  	s7 =	sld [smem:$0x3FA0]  }
0x1a: {  	s8 =	sadd.s32 $0xFFFFE003, lr  }
0x1b: {  	s9 =	sadd.s32 $0xFFFFFEF7, lr;
	s5 =	simm.s32 $0xFFFFFFFF;
	p2 =	slt.u32 s8, $0xFFFFF086  }
0x1c: {  	p1 =	slt.u32 s9, $0xF7A;
	s5 =	simm.s32 @!p2 $0x0  }
0x1d: {  	s5 =	simm.s32 @p1 $0x1;
	p0 =	seq.s32 s7, s2  }
0x1e: {  	s7 =	smul.u32 @!p0 $0xF7A, s2;
	p2 =	seq.s32 @!p0 s5, $0x0  }
0x1f: {  	s9 =	smul.u32 $0xF7A, s1;
	s8 =	simm.s32 @!p0 $0x1BF5;
	p2 =	por !p2, p0  }
0x20: {  	[sflag:s8] =	ssyncset.s32 @!p0 $0xFFFFF086;
	s6 =	sadd.s32 @!p0 s3, s7;
	s7 =	simm.s32 @!p0 $0x108  }
0x21: {  	s3 =	sadd.s32 s3, s9;
	s6 =	sadd.s32 @!p0 $0x88, s6;
	s7 =	simm.s32 @p2 $0x1082  }
0x22: {  	[simem:s7], [sflag:s8] =	dma.local @!p0 [hbm:s6], $0xF7A  }
0x23: {  	s9 =	sor.u32 $0xD0000000, s2;
	s6 =	simm.s32 $0x108;
	_ =	swait.ge @!p0 [sflag:s8], $0x0  }
0x24: {  	s3 =	sadd.s32 $0x88, s3;
	s6 =	simm.s32 @!p1 $0x1082;
	[sflag:s4] =	ssyncset.s32 $0xFFFFF086  }
0x25: {  	[simem:s6], [sflag:s4] =	dma.local [hbm:s3], $0xF7A  }
0x26: {  	[smem:$0x3FA0] =	sst s1;
	(tag) =	ssettag s2;
	_ =	strace s9  }
0x27: {  	s1 =	sld [smem:$0x3FB0]  }
0x28: {  	s2 =	sld [smem:$0x3FB1]  }
0x29: {  	s4 =	sld [smem:$0x3FB3]  }
0x2a: {  	p0 =	seq.s32 s5, $0x0;
	s5 =	sld [smem:$0x3FB4]  }
0x2b: {  	s6 =	sld [smem:$0x3FB5]  }
0x2c: {  	s7 =	sld [smem:$0x3FB6]  }
0x2d: {  	s3 =	simm.s32 $0x108;
	s8 =	sld [smem:$0x3FB7]  }
0x2e: {  	s3 =	simm.s32 @!p0 $0x1082;
	s9 =	sld [smem:$0x3FB8]  }
0x2f: {  	lr =	sadd.s32 s0, s3;
	s0 =	sld [smem:$0x3FAF]  }
0x30: {  	s3 =	sld [smem:$0x3FB2]  }
0x31: {  	[smem:$0x3FBB] =	sst s10  }
0x32: {  	s10 =	sld [smem:$0x3FB9];
	_ =	sdelay $0x3  }
0x33: {  	p0 =	seq.s32 s10, $0x1;
	s10 =	sld [smem:$0x3FBB];
	_ =	sdelay $0x3  }
0x34: {  	[smem:$0x3FBB] =	sst s10  }
0x35: {  	s10 =	sld [smem:$0x3FBA];
	_ =	sdelay $0x3  }
0x36: {  	p1 =	seq.s32 s10, $0x1;
	s10 =	sld [smem:$0x3FBB];
	_ =	sdelay $0x3  }
0x37: {  	[smem:$0x3FBB] =	sst s10  }
0x38: {  	s10 =	sld [smem:$0x3FBC]  }
0x39: {  	_ = 	snop;
	(pc) =	sbr.ind lr, $3  }
0x3a: {  	_ = 	snop  }
0x3b: {  	_ = 	snop  }
0x3c: {  	p2 =	seq.s32 s10, $0x1;
	s10 =	sld [smem:$0x3FBB]  }
0x3d: {  	_ =	shalt  }
0x3e: {  	_ =	shalt  }
0x3f: {  	_ =	shalt  }
0x40: {  	_ =	shalt  }
0x41: {  	_ =	shalt  }
0x42: {  	_ =	shalt  }
0x43: {  	_ =	shalt  }
0x44: {  	_ =	shalt  }
0x45: {  	_ =	shalt  }
0x46: {  	_ =	shalt  }
0x47: {  	_ =	shalt  }
0x48: {  	_ =	shalt  }
0x49: {  	_ =	shalt  }
0x4a: {  	_ =	shalt  }
0x4b: {  	_ =	shalt  }
0x4c: {  	_ =	shalt  }
0x4d: {  	_ =	shalt  }
0x4e: {  	_ =	shalt  }
0x4f: {  	_ =	shalt  }
0x50: {  	_ =	shalt  }
0x51: {  	_ =	shalt  }
0x52: {  	_ =	shalt  }
0x53: {  	_ =	shalt  }
0x54: {  	_ =	shalt  }
0x55: {  	_ =	shalt  }
0x56: {  	_ =	shalt  }
0x57: {  	_ =	shalt  }
0x58: {  	_ =	shalt  }
0x59: {  	_ =	shalt  }
0x5a: {  	_ =	shalt  }
0x5b: {  	_ =	shalt  }
0x5c: {  	_ =	shalt  }
0x5d: {  	_ =	shalt  }
0x5e: {  	_ =	shalt  }
0x5f: {  	_ =	shalt  }
0x60: {  	_ =	shalt  }
0x61: {  	_ =	shalt  }
0x62: {  	_ =	shalt  }
0x63: {  	_ =	shalt  }
0x64: {  	_ =	shalt  }
0x65: {  	_ =	shalt  }
0x66: {  	_ =	shalt  }
0x67: {  	_ =	shalt  }
0x68: {  	_ =	shalt  }
0x69: {  	_ =	shalt  }
0x6a: {  	_ =	shalt  }
0x6b: {  	_ =	shalt  }
0x6c: {  	_ =	shalt  }
0x6d: {  	_ =	shalt  }
0x6e: {  	_ =	shalt  }
0x6f: {  	_ =	shalt  }
0x70: {  	_ =	shalt  }
0x71: {  	_ =	shalt  }
0x72: {  	_ =	shalt  }
0x73: {  	_ =	shalt  }
0x74: {  	_ =	shalt  }
0x75: {  	_ =	shalt  }
0x76: {  	_ =	shalt  }
0x77: {  	_ =	shalt  }
0x78: {  	_ =	shalt  }
0x79: {  	_ =	shalt  }
0x7a: {  	_ =	shalt  }
0x7b: {  	_ =	shalt  }
0x7c: {  	_ =	shalt  }
0x7d: {  	_ =	shalt  }
0x7e: {  	_ =	shalt  }
0x7f: {  	_ =	shalt  }
0x80: {  	_ =	shalt  }
0x81: {  	_ =	shalt  }
0x82: {  	_ =	shalt  }
0x83: {  	_ =	shalt  }
0x84: {  	_ =	shalt  }
0x85: {  	_ =	shalt  }
0x86: {  	_ =	shalt  }
0x87: {  	_ =	shalt  }
.Lfunc_end0:
.L_simem_size_0:
called_computation_lowered:
.L_overlay_start_0:
0x88: {  	s0 =	sld [smem:$0x3FD9]  }
0x89: {  	s1 =	sld [smem:$0x3FFE];
	_ =	sdelay $0x3  }
0x8a: {  	s0 =	sadd.s32 s1, s0  }
0x8b: {  	[smem:$0x3FC7] =	sst s0  }
0x8c: {  	_ = 	snop  }
0x8d: {  	s0 =	sld [smem:$0x3FD0];
	(tm) =	ssettm $0x1  }
0x8e: {  	s16 =	sld [smem:$0x3FFB];
	_ =	sdelay $0x3  }
0x8f: {  	_ =	strace s16  }
0x90: {  	s1 =	sld [smem:$0x3FFC];
	_ =	sdelay $0x3  }
0x91: {  	_ =	strace s1  }
0x92: {  	s1 =	sld [smem:$0x3FFD];
	_ =	sdelay $0x3  }
0x93: {  	_ =	strace s1  }
0x94: {  	_ =	strace $0x8FFFFFFF  }
0x95: {  	s17 =	sld [smem:$0x3FDB];
	_ =	sdelay $0x1  }
0x96: {  	s2 =	simm.s32 $_scs_section_size  }
0x97: {  	s3 =	simm.s32 $_size__tile_overlayer_lowered;
	s4 =	simm.s32 $_tile_overlayer_lowered  }
0x98: {  	s20 =	simm.s32 $0x1BFF;
	s19 =	sshll.u32 s4, $0x1;
	s1 =	sadd.s32 s2, s17  }
0x99: {  	s5 =	simm.s32 $0x0;
	s18 =	sshll.u32 s3, $0x1;
	s3 =	sadd.s32 s19, s1  }
0x9a: {  	[timem:s5], [sflag:s20] =	dma.local [hbm:s3], s18  }
0x9b: {  	_ =	swait.ge [sflag:s20], s18  }
0x9c: {  	s2 =	ssub.s32 $0x0, s18;
	[sflag:s20] =	ssyncset.done $0x0  }
0x9d: {  	[sflag:s20] =	ssyncadd.s32 s2;
	_ =	sdelay $0x1  }
0x9e: {  	s21 =	simm.s32 $0x1B8B  }
0x9f: {  	_ =	swait.ge [sflag:s21], $0x1  }
0xa0: {  	[sflag:s21] =	ssyncset.done $0x0  }
0xa1: {  	s23 =	simm.s32 $0x1B8E;
	s22 =	sld [smem:$0x3FFE];
	[sflag:s21] =	ssyncadd.s32 $0xFFFFFFFF  }
0xa2: {  	s24 =	simm.s32 $execute0_lowered;
	[smem:$0x3FD2] =	sst s23  }
0xa3: {  	s3 =	sshll.u32 s24, $0x1;
	_ =	strace $0x80000046;
	[dreg:$0x1] =	wrdreg $0xFFFFFFFF  }
0xa4: {  	s25 =	simm.s32 $_size_execute0_lowered;
	s1 =	sadd.s32 s1, s3;
	[dreg:$0x0] =	wrdreg $0x0  }
0xa5: {  	s3 =	sshll.u32 s25, $0x1;
	[dreg:$0x2] =	wrdreg s1  }
0xa6: {  	[dreg:$0x3] =	wrdreg s3  }
0xa7: {  	[dreg:$0x4] =	wrdreg $0xC0  }
0xa8: {  	_ =	task [dreg:s5], $0x5FFFF  }
0xa9: {  	[dreg:$0x1] =	wrdreg $0xFFFFFFFF  }
0xaa: {  	[dreg:$0x0] =	wrdreg $0x60  }
0xab: {  	[dreg:$0x2] =	wrdreg s22  }
0xac: {  	[dreg:$0x3] =	wrdreg s0  }
0xad: {  	[dreg:$0x4] =	wrdreg $0x9  }
0xae: {  	_ =	task.clear_ibuf [dreg:s5], $0x5FFFF;
	_ =	strace $0x90000046  }
0xaf: {  	s26 =	simm.s32 $0x9;
	_ =	strace $0x80000048  }
0xb0: {  	_ =	swait.ge [sflag:s26], $0x1  }
0xb1: {  	[sflag:s26] =	ssyncadd.s32 $0xFFFFFFFF  }
0xb2: {  	_ =	strace $0x90000048  }
0xb3: {  	_ =	sfence  }
0xb4: {  	s28 =	sld [smem:$0x0];
	_ =	sdelay $0x1  }
0xb5: {  	s29 =	srdreg.scid  }
0xb6: {  	s30 =	sshll.u32 s29, $0xD;
	s31 =	sshrl.u32 s29, $0x2  }
0xb7: {  	s2 =	sand.u32 $0x4000, s30;
	s1 =	sand.u32 $0x1, s29;
	s0 =	sadd.s32 s31, s28  }
0xb8: {  	s1 =	sor.u32 s2, s1;
	s0 =	sshll.u32 s0, $0x11  }
0xb9: {  	s0 =	sor.u32 s0, s1  }
0xba: {  	s0 =	sadd.s32 $0x8F2B, s0  }
0xbb: {  	[sflag:s0] =	ssyncadd.remote.s32 $0x1  }
0xbc: {  	_ =	sfence.sel $0xFFFF  }
0xbd: {  	[dreg:$0x0] =	wrdreg $0xFFFFFFFF;
	(pc) =	sbr.abs _section_cstart, $3  }
0xbe: {  	[dreg:$0x1] =	wrdreg $0xFFFFFFFF  }
0xbf: {  	_ =	task.clear_ibuf [dreg:s5], $0x2FFFF;
	_ =	strace $0x9FFFFFFF  }
0xc0: {  	(tm) =	ssettm $0x7FFFFFFF  }
0xc1: {  	_ =	shalt  }
tec
execute0_lowered:
.L_overlay_start_1:
0x0: {  	(tag) =	ssettag $0x1  }
0x1: {  	s1 =	stileid.u32  }
0x2: {  	p0 =	sgt.u32 s1, $0xC  }
.Ltmp0:
0x3: {  	_ = 	snop;
	(pc) =	sbr.rel @p0 .LBB2_2-.Ltmp0, $4  }
0x4: {  	s4 =	rddreg [dreg:$0x0]  }
0x5: {  	s2 =	rddreg [dreg:$0x1];
	s3 =	simm.s32 $0x0  }
0x6: {  	[smem:$0x7FF] =	sst s3  }
0x7: {  	s0 =	rddreg [dreg:$0x2];
	_ =	strace $0x80000047  }
0x8: {  	v0 =	vimm.f32 $5.000000000e-01  }
0x9: {  	(erf) = vrcp.f32 v0;
	_ =	sdelay $0x5  }
0xa: {  	s5 =	sadd.s32 $0x600, s4;
	s25 =	sadd.s32 $0x800, s4;
	s6 =	sshll.u32 s1, $0x5  }
0xb: {  	[tilespmem:s3], [sflag:$0x1] =	stream.linear.gather [hbm4b:s5+s3], $0x384, $0x38;
	[tilespmem:$0x580] =	vst v63  }
0xc: {  	s26 =	simm.s32 $0x400;
	s28 =	simm.s32 $0x1;
	s4 =	sadd.s32 s25, s6  }
0xd: {  	[tilespmem:s26], [sflag:$0x2] =	stream.linear.gather [hbm4b:s4+s3], $0x100, $0x38;
	v5 =	vpop (erf);
	[tilespmem:$0x580] =	vst v63  }
0xe: {  	_ =	swait.ge [sflag:s28], $0x384  }
0xf: {  	[sflag:s28] =	ssyncset.done $0x0  }
0x10: {  	s29 =	simm.s32 $0x2;
	[sflag:s28] =	ssyncadd.s32 $0xFFFFFC7C  }
0x11: {  	s30 =	smul.u32 $0x120, s1;
	_ =	swait.ge [sflag:s29], $0x100  }
0x12: {  	[sflag:s29] =	ssyncset.done $0x0  }
0x13: {  	s3 =	sshrl.u32 s30, $0x2;
	[sflag:s29] =	ssyncadd.s32 $0xFFFFFF00  }
0x14: {  	v18 =	vld [tilespmem:s3+$0x0]  }
0x15: {  	v1 =	vld [tilespmem:$0x400];
	_ =	sdelay $0x2  }
0x16: {  	vm0 =	vmmov $0x1ff  }
0x17: {  	v0 =	vnsel vm0, $0x0, v18  }
0x18: {  	v0 =	vadd.f32 v1, v0;
	_ =	sdelay $0x1  }
0x19: {  	v0 =	vmul.f32 v0, v5;
	_ =	sdelay $0x1  }
0x1a: {  	v0 =	vmul.f32 $1.442695020e+00, v0;
	_ =	sdelay $0x1  }
0x1b: {  	(erf) = vpow2.f32 v0;
	_ =	sdelay $0x1  }
0x1c: {  	v19 =	vimm.s32 $0xFEDCBA98  }
0x1d: {  	v20 =	vimm.s32 $0x76543210;
	v0 =	vunpack.c.l.s4.s8 v19  }
0x1e: {  	v1 =	vunpack.c.l.s4.s8 v20  }
0x1f: {  	v0 =	vunpack.c.0.s8.s32 v0  }
0x20: {  	v2 =	vimm.s32 $0xBA98FEDC;
	v3 =	vimm.s32 $0x32107654;
	v1 =	vunpack.c.0.s8.s32 v1  }
0x21: {  	v2 =	vunpack.c.l.s4.s8 v2;
	v4 =	vunpack.c.l.s4.s8 v3;
	v0 =	vand.u32 $0xF, v0  }
0x22: {  	v3 =	vcombine.low v0, v1  }
0x23: {  	v21 =	vunpack.c.0.s8.s32 v2;
	v22 =	vunpack.c.0.s8.s32 v4;
	v7 =	vpop (erf)  }
0x24: {  	v24 =	vimm.s32 $0xDCFE98BA;
	v6 =	vimm.s32 $0x54761032;
	v23 =	vperm.xlane v7, v3  }
0x25: {  	v6 =	vunpack.c.l.s4.s8 v6;
	v4 =	vunpack.c.l.s4.s8 v24;
	v0 =	vcombine.low v22, v21  }
0x26: {  	v2 =	vadd.f32 v7, v23  }
0x27: {  	v26 =	vunpack.c.0.s8.s32 v6;
	v25 =	vunpack.c.0.s8.s32 v4;
	v1 =	vand.u32 $0xF, v0  }
0x28: {  	v8 =	vimm.s32 $0xEFCDAB89;
	v9 =	vimm.s32 $0x67452301;
	v27 =	vperm.xlane v2, v1  }
0x29: {  	v28 =	vunpack.c.l.s4.s8 v8;
	v29 =	vunpack.c.l.s4.s8 v9;
	v30 =	vld [tilespmem:s3+$0x9];
	v0 =	vcombine.low v26, v25  }
0x2a: {  	v10 =	vld [tilespmem:$0x420];
	v6 =	vadd.f32 v2, v27  }
0x2b: {  	v31 =	vunpack.c.0.s8.s32 v28;
	v32 =	vunpack.c.0.s8.s32 v29;
	v2 =	vand.u32 $0xF, v0  }
0x2c: {  	v33 =	vperm.xlane v6, v2  }
0x2d: {  	v0 =	vcombine.low v32, v31  }
0x2e: {  	v35 =	vnsel vm0, $0x0, v30;
	v34 =	vadd.f32 v6, v33  }
0x2f: {  	v0 =	vand.u32 $0xF, v0;
	v6 =	vadd.f32 v10, v35  }
0x30: {  	v8 =	vperm.xlane v34, v0  }
0x31: {  	v6 =	vmul.f32 v6, v5  }
0x32: {  	v4 =	vadd.f32 v34, v8  }
0x33: {  	v6 =	vmul.f32 $1.442695020e+00, v6  }
0x34: {  	(erf) = vrcp.f32 v4  }
0x35: {  	(erf) = vpow2.f32 v6;
	_ =	sdelay $0x7  }
0x36: {  	v4 =	vpop (erf)  }
0x37: {  	v36 =	vpop (erf)  }
0x38: {  	v37 =	vperm.xlane v36, v3;
	_ =	sdelay $0x1  }
0x39: {  	v6 =	vadd.f32 v36, v37;
	_ =	sdelay $0x1  }
0x3a: {  	v38 =	vperm.xlane v6, v1  }
0x3b: {  	v39 =	vld [tilespmem:s3+$0x12]  }
0x3c: {  	v40 =	vld [tilespmem:$0x440];
	v6 =	vadd.f32 v6, v38;
	_ =	sdelay $0x1  }
0x3d: {  	v11 =	vperm.xlane v6, v2;
	_ =	sdelay $0x1  }
0x3e: {  	v10 =	vnsel vm0, $0x0, v39;
	v6 =	vadd.f32 v6, v11  }
0x3f: {  	v8 =	vadd.f32 v40, v10  }
0x40: {  	v41 =	vperm.xlane v6, v0  }
0x41: {  	v8 =	vmul.f32 v8, v5  }
0x42: {  	v6 =	vadd.f32 v6, v41  }
0x43: {  	v8 =	vmul.f32 $1.442695020e+00, v8  }
0x44: {  	(erf) = vrcp.f32 v6  }
0x45: {  	(erf) = vpow2.f32 v8;
	_ =	sdelay $0x7  }
0x46: {  	v42 =	vpop (erf)  }
0x47: {  	v43 =	vpop (erf)  }
0x48: {  	v44 =	vperm.xlane v43, v3;
	_ =	sdelay $0x1  }
0x49: {  	v6 =	vadd.f32 v43, v44;
	_ =	sdelay $0x1  }
0x4a: {  	v45 =	vperm.xlane v6, v1  }
0x4b: {  	v12 =	vld [tilespmem:s3+$0x1B]  }
0x4c: {  	v46 =	vld [tilespmem:$0x460];
	v6 =	vadd.f32 v6, v45;
	_ =	sdelay $0x1  }
0x4d: {  	v13 =	vperm.xlane v6, v2;
	_ =	sdelay $0x1  }
0x4e: {  	v12 =	vnsel vm0, $0x0, v12;
	v6 =	vadd.f32 v6, v13  }
0x4f: {  	v8 =	vadd.f32 v46, v12  }
0x50: {  	v47 =	vperm.xlane v6, v0  }
0x51: {  	v8 =	vmul.f32 v8, v5  }
0x52: {  	v6 =	vadd.f32 v6, v47  }
0x53: {  	v8 =	vmul.f32 $1.442695020e+00, v8  }
0x54: {  	(erf) = vrcp.f32 v6  }
0x55: {  	(erf) = vpow2.f32 v8;
	_ =	sdelay $0x7  }
0x56: {  	v48 =	vpop (erf)  }
0x57: {  	v6 =	vpop (erf)  }
0x58: {  	v49 =	vperm.xlane v6, v3;
	_ =	sdelay $0x1  }
0x59: {  	v8 =	vadd.f32 v6, v49;
	_ =	sdelay $0x1  }
0x5a: {  	v50 =	vperm.xlane v8, v1  }
0x5b: {  	v14 =	vld [tilespmem:s3+$0x24]  }
0x5c: {  	v51 =	vld [tilespmem:$0x480];
	v8 =	vadd.f32 v8, v50;
	_ =	sdelay $0x1  }
0x5d: {  	v15 =	vperm.xlane v8, v2;
	_ =	sdelay $0x1  }
0x5e: {  	v14 =	vnsel vm0, $0x0, v14;
	v8 =	vadd.f32 v8, v15  }
0x5f: {  	v13 =	vadd.f32 v51, v14  }
0x60: {  	v52 =	vperm.xlane v8, v0  }
0x61: {  	v13 =	vmul.f32 v13, v5  }
0x62: {  	v8 =	vadd.f32 v8, v52  }
0x63: {  	v13 =	vmul.f32 $1.442695020e+00, v13  }
0x64: {  	(erf) = vrcp.f32 v8  }
0x65: {  	(erf) = vpow2.f32 v13;
	_ =	sdelay $0x5  }
0x66: {  	v53 =	vld [tilespmem:$0x410]  }
0x67: {  	v4 =	vmul.f32 v4, v7  }
0x68: {  	v13 =	vpop (erf)  }
0x69: {  	v4 =	vadd.f32 $1.000000010e-07, v4;
	v8 =	vpop (erf)  }
0x6a: {  	v54 =	vperm.xlane v8, v3  }
0x6b: {  	v14 =	vmul.f32 v4, v53  }
0x6c: {  	v55 =	vadd.f32 v8, v54  }
0x6d: {  	v56 =	vperm.xlane v14, v3  }
0x6e: {  	v57 =	vperm.xlane v55, v1  }
0x6f: {  	v16 =	vld [tilespmem:s3+$0x2D];
	v7 =	vmax.f32 v14, v56  }
0x70: {  	v58 =	vld [tilespmem:$0x4A0];
	v17 =	vperm.xlane v7, v1;
	v4 =	vadd.f32 v55, v57;
	_ =	sdelay $0x1  }
0x71: {  	v7 =	vmax.f32 v7, v17;
	v59 =	vperm.xlane v4, v2  }
0x72: {  	v18 =	vperm.xlane v7, v2  }
0x73: {  	v16 =	vnsel vm0, $0x0, v16;
	v4 =	vadd.f32 v4, v59  }
0x74: {  	v7 =	vmax.f32 v7, v18;
	v15 =	vadd.f32 v58, v16  }
0x75: {  	v60 =	vperm.xlane v7, v0;
	v62 =	vperm.xlane v4, v0  }
0x76: {  	v61 =	vld [tilespmem:$0x430];
	v63 =	vmul.f32 v15, v5  }
0x77: {  	v9 =	vmul.f32 v42, v36;
	v20 =	vmax.f32 v7, v60;
	v19 =	vadd.f32 v4, v62  }
0x78: {  	vm1 =	veq.f32 v14, v20;
	v22 =	vmul.f32 $1.442695020e+00, v63;
	v4 =	vlaneseq.u32  }
0x79: {  	v21 =	vadd.f32 $1.000000010e-07, v9;
	v23 =	vnsel vm1, $0x10, v4;
	(erf) = vrcp.f32 v19  }
0x7a: {  	v25 =	vperm.xlane v23, v3;
	(erf) = vpow2.f32 v22  }
0x7b: {  	v24 =	vmul.f32 v21, v61  }
0x7c: {  	vm1 =	vlt.s32 v23, v25  }
0x7d: {  	v26 =	vperm.xlane v24, v3;
	v7 =	vsel vm1, v23, v25  }
0x7e: {  	v10 =	vperm.xlane v7, v1  }
0x7f: {  	v9 =	vmax.f32 v24, v26  }
0x80: {  	v27 =	vperm.xlane v9, v1  }
0x81: {  	vm1 =	vlt.s32 v7, v10  }
0x82: {  	v9 =	vmax.f32 v9, v27;
	v28 =	vsel vm1, v7, v10;
	v10 =	vpop (erf)  }
0x83: {  	v29 =	vperm.xlane v9, v2;
	v7 =	vpop (erf)  }
0x84: {  	v19 =	vperm.xlane v7, v3  }
0x85: {  	v9 =	vmax.f32 v9, v29  }
0x86: {  	v31 =	vld [tilespmem:$0x450];
	v20 =	vperm.xlane v9, v0;
	v33 =	vadd.f32 v7, v19  }
0x87: {  	v35 =	vld [tilespmem:s3+$0x36];
	v11 =	vmul.f32 v48, v43  }
0x88: {  	v37 =	vld [tilespmem:$0x4C0];
	v9 =	vmax.f32 v9, v20;
	v30 =	vperm.xlane v28, v2;
	v19 =	vperm.xlane v33, v1  }
0x89: {  	vm10 =	veq.f32 v24, v9;
	v11 =	vadd.f32 $1.000000010e-07, v11  }
0x8a: {  	v34 =	vnsel vm10, $0x10, v4;
	vm1 =	vlt.s32 v28, v30;
	v16 =	vadd.f32 v33, v19  }
0x8b: {  	v17 =	vmul.f32 v11, v31;
	v36 =	vperm.xlane v34, v3;
	v32 =	vsel vm1, v28, v30  }
0x8c: {  	v11 =	vnsel vm0, $0x0, v35;
	v18 =	vperm.xlane v32, v0;
	v21 =	vperm.xlane v16, v2  }
0x8d: {  	v11 =	vadd.f32 v37, v11;
	v38 =	vperm.xlane v17, v3;
	vm12 =	vlt.s32 v34, v36  }
0x8e: {  	v12 =	vsel vm12, v34, v36;
	vm2 =	vlt.s32 v32, v18;
	v16 =	vadd.f32 v16, v21  }
0x8f: {  	v11 =	vmul.f32 v11, v5;
	v40 =	vperm.xlane v12, v1;
	v9 =	vsel vm2, v32, v18  }
0x90: {  	vm11 =	veq.s32 v9, v4;
	v19 =	vmax.f32 v17, v38;
	v42 =	vperm.xlane v16, v0  }
0x91: {  	vm1 =	vlt.s32 v12, v40;
	v14 =	vsel vm11, $0xBF800000, v14;
	v39 =	vperm.xlane v19, v1  }
0x92: {  	v12 =	vsel vm1, v12, v40;
	v22 =	vperm.xlane v14, v3;
	v16 =	vadd.f32 v16, v42  }
0x93: {  	v11 =	vmul.f32 $1.442695020e+00, v11;
	v44 =	vperm.xlane v12, v2;
	v19 =	vmax.f32 v19, v39  }
0x94: {  	v41 =	vmax.f32 v14, v22;
	v43 =	vperm.xlane v19, v2;
	(erf) = vrcp.f32 v16  }
0x95: {  	v23 =	vperm.xlane v41, v1;
	(erf) = vpow2.f32 v11  }
0x96: {  	v19 =	vmax.f32 v19, v43  }
0x97: {  	vm1 =	vlt.s32 v12, v44;
	v46 =	vmax.f32 v41, v23;
	v45 =	vperm.xlane v19, v0  }
0x98: {  	v58 =	vld [tilespmem:$0x470];
	v6 =	vmul.f32 v13, v6;
	v12 =	vsel vm1, v12, v44;
	v18 =	vperm.xlane v46, v2  }
0x99: {  	v48 =	vperm.xlane v12, v0;
	v47 =	vmax.f32 v19, v45  }
0x9a: {  	v6 =	vadd.f32 $1.000000010e-07, v6;
	v18 =	vmax.f32 v46, v18;
	vm13 =	veq.f32 v17, v47  }
0x9b: {  	vm14 =	vlt.s32 v12, v48;
	v50 =	vperm.xlane v18, v0;
	v16 =	vnsel vm13, $0x10, v4  }
0x9c: {  	v8 =	vmul.f32 v10, v8;
	v11 =	vsel vm14, v12, v48;
	v49 =	vperm.xlane v16, v3  }
0x9d: {  	v23 =	vmul.f32 v6, v58;
	vm1 =	veq.s32 v11, v4;
	v51 =	vmax.f32 v18, v50;
	v19 =	vpop (erf)  }
0x9e: {  	v15 =	vsel vm1, $0xBF800000, v24;
	vm4 =	veq.f32 v14, v51;
	vm15 =	vlt.s32 v16, v49;
	v12 =	vpop (erf)  }
0x9f: {  	v52 =	vperm.xlane v15, v3;
	v54 =	vnsel vm4, $0x10, v4;
	v55 =	vperm.xlane v12, v3  }
0xa0: {  	v25 =	vperm.xlane v23, v3;
	v16 =	vsel vm15, v16, v49;
	v56 =	vperm.xlane v54, v3  }
0xa1: {  	v53 =	vperm.xlane v16, v1;
	v14 =	vmax.f32 v15, v52;
	v21 =	vadd.f32 v12, v55  }
0xa2: {  	v8 =	vadd.f32 $1.000000010e-07, v8;
	v31 =	vmax.f32 v23, v25;
	v57 =	vperm.xlane v14, v1  }
0xa3: {  	vm6 =	vlt.s32 v54, v56;
	vm5 =	vlt.s32 v16, v53;
	v59 =	vperm.xlane v21, v1  }
0xa4: {  	v61 =	vld [tilespmem:s3+$0x3F];
	v33 =	vperm.xlane v31, v1;
	v20 =	vsel vm6, v54, v56;
	v16 =	vsel vm5, v16, v53  }
0xa5: {  	v62 =	vld [tilespmem:$0x4E0];
	v14 =	vmax.f32 v14, v57;
	v18 =	vperm.xlane v16, v2;
	v13 =	vadd.f32 v21, v59  }
0xa6: {  	v36 =	vmax.f32 v31, v33;
	v24 =	vperm.xlane v20, v1;
	v60 =	vperm.xlane v14, v2  }
0xa7: {  	v7 =	vmul.f32 v19, v7;
	vm7 =	vlt.s32 v16, v18;
	v28 =	vperm.xlane v13, v2  }
0xa8: {  	vm1 =	vlt.s32 v20, v24;
	v14 =	vmax.f32 v14, v60;
	v16 =	vsel vm7, v16, v18  }
0xa9: {  	v29 =	vperm.xlane v14, v0;
	v18 =	vnsel vm0, $0x0, v61;
	v13 =	vadd.f32 v13, v28  }
0xaa: {  	v20 =	vsel vm1, v20, v24;
	v63 =	vperm.xlane v16, v0;
	v30 =	vadd.f32 v62, v18  }
0xab: {  	v18 =	vperm.xlane v36, v2;
	v14 =	vmax.f32 v14, v29;
	v32 =	vperm.xlane v13, v0  }
0xac: {  	vm8 =	vlt.s32 v16, v63;
	v5 =	vmul.f32 v30, v5;
	vm9 =	veq.f32 v15, v14  }
0xad: {  	v14 =	vmax.f32 v36, v18;
	v6 =	vsel vm8, v16, v63;
	v13 =	vadd.f32 v13, v32  }
0xae: {  	v18 =	vperm.xlane v14, v0;
	vm1 =	veq.s32 v6, v4;
	v5 =	vmul.f32 $1.442695020e+00, v5  }
0xaf: {  	v47 =	vld [tilespmem:$0x490];
	v34 =	vperm.xlane v20, v2;
	v17 =	vsel vm1, $0xBF800000, v17;
	(erf) = vrcp.f32 v13  }
0xb0: {  	v42 =	vmax.f32 v14, v18;
	v35 =	vperm.xlane v17, v3;
	(erf) = vpow2.f32 v5  }
0xb1: {  	vm5 =	vmmov $0x1;
	v7 =	vadd.f32 $1.000000010e-07, v7;
	vm12 =	veq.f32 v23, v42  }
0xb2: {  	vm10 =	vlt.s32 v20, v34;
	v45 =	vnsel vm12, $0x10, v4;
	v37 =	vmax.f32 v17, v35  }
0xb3: {  	v38 =	vnsel vm9, $0x10, v4;
	v46 =	vperm.xlane v45, v3;
	v21 =	vperm.xlane v37, v1  }
0xb4: {  	v16 =	vsel vm10, v20, v34;
	v20 =	vmul.f32 v8, v47;
	v39 =	vperm.xlane v38, v3  }
0xb5: {  	v41 =	vperm.xlane v16, v0;
	vm4 =	vlt.s32 v45, v46;
	v15 =	vmax.f32 v37, v21  }
0xb6: {  	v55 =	vperm.xlane v20, v3;
	v51 =	vsel vm4, v45, v46;
	v40 =	vperm.xlane v15, v2  }
0xb7: {  	vm11 =	vlt.s32 v38, v39;
	vm13 =	vlt.s32 v16, v41;
	v18 =	vperm.xlane v51, v1  }
0xb8: {  	v16 =	vsel vm13, v16, v41;
	v5 =	vsel vm11, v38, v39;
	v15 =	vmax.f32 v15, v40;
	v48 =	vpop (erf)  }
0xb9: {  	vm7 =	vlt.s32 v51, v18;
	v43 =	vperm.xlane v5, v1;
	v44 =	vperm.xlane v15, v0;
	v50 =	vpop (erf)  }
0xba: {  	vm13 =	vmmov $0x3;
	v14 =	vsel vm7, v51, v18;
	v52 =	vperm.xlane v50, v3  }
0xbb: {  	v58 =	vperm.xlane v14, v2;
	vm14 =	vlt.s32 v5, v43;
	v13 =	vmax.f32 v15, v44  }
0xbc: {  	v15 =	vmax.f32 v20, v55;
	v5 =	vsel vm14, v5, v43;
	v53 =	vadd.f32 v50, v52  }
0xbd: {  	vm15 =	veq.f32 v17, v13;
	vm9 =	vlt.s32 v14, v58;
	v59 =	vperm.xlane v15, v1  }
0xbe: {  	v49 =	vperm.xlane v5, v2;
	v17 =	vnsel vm15, $0x10, v4;
	v56 =	vperm.xlane v53, v1  }
0xbf: {  	v25 =	vld [tilespmem:$0x4B0];
	v14 =	vsel vm9, v14, v58;
	v54 =	vperm.xlane v17, v3;
	v15 =	vmax.f32 v15, v59  }
0xc0: {  	v62 =	vperm.xlane v14, v0;
	vm6 =	vlt.s32 v5, v49;
	v8 =	vadd.f32 v53, v56  }
0xc1: {  	v9 =	vsel vm5, v9, v16;
	v63 =	vperm.xlane v15, v2;
	v5 =	vsel vm6, v5, v49  }
0xc2: {  	vm8 =	vlt.s32 v17, v54;
	vm12 =	vlt.s32 v14, v62;
	v61 =	vperm.xlane v8, v2  }
0xc3: {  	v57 =	vperm.xlane v5, v0;
	v10 =	vsel vm8, v17, v54;
	v24 =	vmax.f32 v15, v63  }
0xc4: {  	v15 =	vmul.f32 v7, v25;
	v12 =	vmul.f32 v48, v12;
	v8 =	vadd.f32 v8, v61  }
0xc5: {  	v36 =	vld [tilespmem:$0x4D0];
	v60 =	vperm.xlane v10, v1;
	v27 =	vperm.xlane v24, v0;
	vm10 =	vlt.s32 v5, v57  }
0xc6: {  	v37 =	vperm.xlane v15, v3;
	v12 =	vadd.f32 $1.000000010e-07, v12;
	v26 =	vperm.xlane v8, v0  }
0xc7: {  	vm11 =	vlt.s32 v10, v60;
	v16 =	vsel vm10, v5, v57;
	v5 =	vsel vm12, v14, v62  }
0xc8: {  	v14 =	vmax.f32 v24, v27;
	v10 =	vsel vm11, v10, v60;
	v8 =	vadd.f32 v8, v26  }
0xc9: {  	vm1 =	veq.s32 v5, v4;
	vm14 =	veq.f32 v20, v14;
	v39 =	vmax.f32 v15, v37  }
0xca: {  	v12 =	vmul.f32 v12, v36;
	v28 =	vsel vm1, $0xBF800000, v23;
	(erf) = vrcp.f32 v8  }
0xcb: {  	v30 =	vperm.xlane v10, v2;
	v32 =	vnsel vm14, $0x10, v4;
	v40 =	vperm.xlane v39, v1  }
0xcc: {  	v33 =	vsel vm13, v9, v11;
	v29 =	vperm.xlane v28, v3;
	v35 =	vperm.xlane v32, v3  }
0xcd: {  	vm15 =	vmmov $0x7;
	v42 =	vperm.xlane v12, v3;
	vm4 =	vlt.s32 v10, v30  }
0xce: {  	v9 =	vmax.f32 v39, v40;
	v31 =	vmax.f32 v28, v29;
	vm5 =	vlt.s32 v32, v35  }
0xcf: {  	v41 =	vperm.xlane v9, v2;
	v34 =	vperm.xlane v31, v1;
	v11 =	vsel vm5, v32, v35  }
0xd0: {  	v10 =	vsel vm4, v10, v30;
	v45 =	vmax.f32 v12, v42;
	v17 =	vperm.xlane v11, v1  }
0xd1: {  	v18 =	vperm.xlane v10, v0;
	v9 =	vmax.f32 v9, v41;
	v38 =	vmax.f32 v31, v34  }
0xd2: {  	v46 =	vperm.xlane v9, v0;
	v14 =	vperm.xlane v38, v2;
	vm6 =	vlt.s32 v11, v17  }
0xd3: {  	v43 =	vld [tilespmem:$0x4F0];
	v47 =	vperm.xlane v45, v1;
	vm7 =	vlt.s32 v10, v18;
	v11 =	vsel vm6, v11, v17;
	v44 =	vpop (erf)  }
0xd4: {  	v9 =	vmax.f32 v9, v46;
	v7 =	vmax.f32 v38, v14;
	v13 =	vmul.f32 v44, v50  }
0xd5: {  	v17 =	vperm.xlane v11, v2;
	v14 =	vmax.f32 v45, v47;
	vm8 =	veq.f32 v15, v9  }
0xd6: {  	v49 =	vperm.xlane v14, v2;
	v51 =	vnsel vm8, $0x10, v4;
	v13 =	vadd.f32 $1.000000010e-07, v13  }
0xd7: {  	v10 =	vsel vm7, v10, v18;
	v48 =	vperm.xlane v7, v0;
	v52 =	vperm.xlane v51, v3  }
0xd8: {  	vm1 =	vlt.s32 v11, v17;
	v9 =	vmax.f32 v14, v49;
	v13 =	vmul.f32 v13, v43  }
0xd9: {  	v8 =	vsel vm15, v33, v16;
	v14 =	vperm.xlane v9, v0;
	vm10 =	vlt.s32 v51, v52  }
0xda: {  	v11 =	vsel vm1, v11, v17;
	v54 =	vsel vm10, v51, v52;
	v21 =	vperm.xlane v13, v3  }
0xdb: {  	v18 =	vmax.f32 v7, v48;
	v9 =	vmax.f32 v9, v14;
	v55 =	vperm.xlane v54, v1  }
0xdc: {  	vm11 =	veq.f32 v28, v18;
	vm12 =	veq.f32 v12, v9;
	v21 =	vmax.f32 v13, v21  }
0xdd: {  	v57 =	vnsel vm12, $0x10, v4;
	vm14 =	vlt.s32 v54, v55;
	v53 =	vperm.xlane v21, v1  }
0xde: {  	v61 =	vnsel vm11, $0x10, v4;
	v60 =	vperm.xlane v57, v3;
	v14 =	vsel vm14, v54, v55  }
0xdf: {  	v16 =	vperm.xlane v14, v2;
	v50 =	vperm.xlane v11, v0;
	v56 =	vmax.f32 v21, v53  }
0xe0: {  	v25 =	vperm.xlane v61, v3;
	v58 =	vperm.xlane v56, v2  }
0xe1: {  	vm15 =	vlt.s32 v57, v60;
	vm4 =	vlt.s32 v14, v16;
	vm9 =	vlt.s32 v11, v50  }
0xe2: {  	v7 =	vsel vm9, v11, v50;
	v11 =	vsel vm15, v57, v60;
	v9 =	vmax.f32 v56, v58  }
0xe3: {  	v14 =	vsel vm4, v14, v16;
	v19 =	vperm.xlane v11, v1;
	v17 =	vperm.xlane v9, v0  }
0xe4: {  	vm11 =	vlt.s32 v61, v25;
	v63 =	vperm.xlane v14, v0;
	vm13 =	veq.s32 v7, v4  }
0xe5: {  	v59 =	vsel vm13, $0xBF800000, v20;
	vm6 =	vlt.s32 v11, v19;
	v9 =	vmax.f32 v9, v17  }
0xe6: {  	v20 =	vperm.xlane v59, v3;
	v11 =	vsel vm6, v11, v19;
	vm5 =	veq.f32 v13, v9  }
0xe7: {  	v27 =	vperm.xlane v11, v2;
	v21 =	vsel vm11, v61, v25;
	v24 =	vnsel vm5, $0x10, v4  }
0xe8: {  	v20 =	vmax.f32 v59, v20;
	v22 =	vperm.xlane v21, v1;
	v26 =	vperm.xlane v24, v3  }
0xe9: {  	vm7 =	vlt.s32 v14, v63;
	v62 =	vperm.xlane v20, v1  }
0xea: {  	vm10 =	vlt.s32 v11, v27;
	vm4 =	vlt.s32 v21, v22;
	vm8 =	vlt.s32 v24, v26  }
0xeb: {  	v11 =	vsel vm10, v11, v27;
	v36 =	vsel vm4, v21, v22;
	v29 =	vsel vm8, v24, v26  }
0xec: {  	v40 =	vperm.xlane v36, v2;
	v17 =	vmax.f32 v20, v62;
	v16 =	vperm.xlane v29, v1  }
0xed: {  	v20 =	vperm.xlane v11, v0;
	v28 =	vperm.xlane v17, v2;
	v9 =	vsel vm7, v14, v63  }
0xee: {  	vm7 =	vmmov $0xf;
	vm9 =	veq.s32 v9, v4;
	vm12 =	vlt.s32 v29, v16  }
0xef: {  	vm10 =	vlt.s32 v36, v40;
	v15 =	vsel vm9, $0xBF800000, v15;
	v14 =	vsel vm12, v29, v16  }
0xf0: {  	vm13 =	vlt.s32 v11, v20;
	v30 =	vperm.xlane v15, v3;
	v32 =	vperm.xlane v14, v2  }
0xf1: {  	v6 =	vsel vm7, v8, v6;
	v17 =	vmax.f32 v17, v28;
	v11 =	vsel vm13, v11, v20  }
0xf2: {  	v23 =	vperm.xlane v17, v0;
	v19 =	vmax.f32 v15, v30;
	vm15 =	vlt.s32 v14, v32  }
0xf3: {  	vm14 =	veq.s32 v11, v4;
	v31 =	vperm.xlane v19, v1;
	v14 =	vsel vm15, v14, v32  }
0xf4: {  	v12 =	vsel vm14, $0xBF800000, v12;
	v17 =	vmax.f32 v17, v23;
	v35 =	vperm.xlane v14, v0  }
0xf5: {  	v33 =	vperm.xlane v12, v3;
	vm5 =	veq.f32 v59, v17;
	v16 =	vmax.f32 v19, v31  }
0xf6: {  	v38 =	vnsel vm5, $0x10, v4;
	v34 =	vperm.xlane v16, v2;
	vm6 =	vlt.s32 v14, v35  }
0xf7: {  	v37 =	vmax.f32 v12, v33;
	v42 =	vperm.xlane v38, v3;
	v14 =	vsel vm6, v14, v35  }
0xf8: {  	v19 =	vperm.xlane v37, v1;
	v16 =	vmax.f32 v16, v34;
	vm8 =	veq.s32 v14, v4  }
0xf9: {  	vm12 =	vmmov $0x1f;
	v20 =	vperm.xlane v16, v0;
	v13 =	vsel vm8, $0xBF800000, v13  }
0xfa: {  	vm11 =	vlt.s32 v38, v42;
	v18 =	vmax.f32 v37, v19;
	v41 =	vperm.xlane v13, v3  }
0xfb: {  	v8 =	vsel vm11, v38, v42;
	v39 =	vperm.xlane v18, v2;
	v16 =	vmax.f32 v16, v20  }
0xfc: {  	v46 =	vperm.xlane v8, v1;
	vm9 =	veq.f32 v15, v16;
	v16 =	vmax.f32 v13, v41  }
0xfd: {  	vm5 =	vmmov $0x3f;
	v6 =	vsel vm12, v6, v10;
	v43 =	vperm.xlane v16, v1  }
0xfe: {  	v5 =	vsel vm5, v6, v5;
	v18 =	vmax.f32 v18, v39;
	vm15 =	vlt.s32 v8, v46  }
0xff: {  	v20 =	vperm.xlane v18, v0;
	v8 =	vsel vm15, v8, v46;
	v16 =	vmax.f32 v16, v43  }
0x100: {  	vm15 =	vmmov $0xff;
	v15 =	vsel vm10, v36, v40;
	v47 =	vperm.xlane v16, v2  }
0x101: {  	v50 =	vperm.xlane v8, v2;
	v18 =	vmax.f32 v18, v20;
	v44 =	vperm.xlane v15, v0  }
0x102: {  	v45 =	vnsel vm9, $0x10, v4;
	vm9 =	vmmov $0x7f;
	v16 =	vmax.f32 v16, v47  }
0x103: {  	vm13 =	veq.f32 v12, v18;
	v48 =	vperm.xlane v45, v3;
	v49 =	vperm.xlane v16, v0  }
0x104: {  	vm7 =	vlt.s32 v8, v50;
	vm14 =	vlt.s32 v15, v44;
	v53 =	vnsel vm13, $0x10, v4  }
0x105: {  	v8 =	vsel vm7, v8, v50;
	vm4 =	vlt.s32 v45, v48;
	v51 =	vmax.f32 v16, v49  }
0x106: {  	v54 =	vperm.xlane v53, v3;
	v10 =	vsel vm4, v45, v48;
	vm6 =	veq.f32 v13, v51  }
0x107: {  	v15 =	vsel vm14, v15, v44;
	v52 =	vperm.xlane v10, v1;
	v4 =	vnsel vm6, $0x10, v4  }
0x108: {  	v55 =	vperm.xlane v8, v0;
	vm10 =	vlt.s32 v53, v54;
	v3 =	vperm.xlane v4, v3  }
0x109: {  	v5 =	vsel vm9, v5, v15;
	v6 =	vsel vm10, v53, v54;
	vm8 =	vlt.s32 v10, v52  }
0x10a: {  	v10 =	vsel vm8, v10, v52;
	v13 =	vperm.xlane v6, v1;
	vm12 =	vlt.s32 v4, v3  }
0x10b: {  	vm11 =	vlt.s32 v8, v55;
	v56 =	vperm.xlane v10, v2;
	v3 =	vsel vm12, v4, v3  }
0x10c: {  	v5 =	vsel vm15, v5, v7;
	vm14 =	vlt.s32 v6, v13;
	v1 =	vperm.xlane v3, v1  }
0x10d: {  	v8 =	vsel vm11, v8, v55;
	vm13 =	vlt.s32 v10, v56;
	v6 =	vsel vm14, v6, v13  }
0x10e: {  	v57 =	vsel vm13, v10, v56;
	v58 =	vperm.xlane v6, v2;
	vm4 =	vlt.s32 v3, v1  }
0x10f: {  	vm11 =	vmmov $0xfff;
	v10 =	vperm.xlane v57, v0;
	v1 =	vsel vm4, v3, v1  }
0x110: {  	v5 =	vsel vm0, v5, v8;
	vm7 =	vlt.s32 v6, v58;
	v2 =	vperm.xlane v1, v2  }
0x111: {  	vm8 =	vmmov $0x7ff;
	vm5 =	vlt.s32 v57, v10;
	v61 =	vsel vm7, v6, v58  }
0x112: {  	vm6 =	vmmov $0x3ff;
	v6 =	vperm.xlane v61, v0;
	vm9 =	vlt.s32 v1, v2  }
0x113: {  	v59 =	vsel vm5, v57, v10;
	v60 =	vsel vm6, v5, v9;
	v1 =	vsel vm9, v1, v2  }
0x114: {  	v3 =	vsel vm8, v60, v59;
	vm10 =	vlt.s32 v61, v6;
	v0 =	vperm.xlane v1, v0  }
0x115: {  	vm12 =	vmmov $0x1fff;
	v3 =	vsel vm11, v3, v11;
	v62 =	vsel vm10, v61, v6  }
0x116: {  	vm14 =	vmmov $0x3fff;
	v2 =	vsel vm12, v3, v62;
	vm13 =	vlt.s32 v1, v0  }
0x117: {  	vm15 =	vmmov $0x7fff;
	v63 =	vsel vm14, v2, v14;
	v0 =	vsel vm13, v1, v0  }
0x118: {  	p0 =	seq.s32 s1, $0xC;
	v0 =	vsel vm15, v63, v0  }
0x119: {  	s5 =	simm.s32 @p0 $0x500;
	s4 =	simm.s32 @p0 $0x0;
	s3 =	sadd.s32 $0x18, s2;
	[tilespmem:$0x500] =	vst v0  }
0x11a: {  	[hbm4b:s3+s4] =	stream.linear.scatter @p0 [tilespmem:s5], [sflag:$0x3], $0x8, $0x38;
	[tilespmem:$0x580] =	vst v63  }
0x11b: {  	s3 =	simm.s32 @p0 $0x3  }
0x11c: {  	s31 =	sshll.u32 s1, $0x1;
	_ =	swait.ge @p0 [sflag:s3], $0x8  }
0x11d: {  	s2 =	sadd.s32 s2, s31;
	[sflag:s3] =	ssyncset.done @p0 $0x0  }
0x11e: {  	s4 =	simm.s32 @!p0 $0x500;
	[sflag:s3] =	ssyncadd.s32 @p0 $0xFFFFFFF8;
	s3 =	simm.s32 @!p0 $0x0  }
0x11f: {  	[hbm4b:s2+s3] =	stream.linear.scatter @!p0 [tilespmem:s4], [sflag:$0x3], $0x10, $0x38;
	[tilespmem:$0x580] =	vst v63  }
0x120: {  	s2 =	simm.s32 @!p0 $0x3  }
0x121: {  	_ =	swait.ge @!p0 [sflag:s2], $0x10  }
0x122: {  	[sflag:s2] =	ssyncset.done @!p0 $0x0  }
0x123: {  	[sflag:s2] =	ssyncadd.s32 @!p0 $0xFFFFFFF0  }
.LBB2_2:
0x124: {  	_ =	sfence.sel $0x180000  }
0x125: {  	[bflag:$0x0] =	sbarrier.arrive $0xFFFF  }
0x126: {  	p0 =	sne.s32 s1, $0x0;
	_ =	strace $0x90000047  }
0x127: {  	s0 =	sadd.s32 @!p0 $0x100000, s0;
	[bflag:$0x2] =	sbarrier.arrive $0xFFFF  }
0x128: {  	[sflag:s0] =	ssyncadd.tile.s32 @!p0 $0x1;
	_ =	shalt  }
.Lfunc_end2:
_tile_overlayer_lowered:
.L_overlay_start_2:
0x129: {  	(tag) =	ssettag $0x2  }
0x12a: {  	s0 =	rddreg [dreg:$0x0];
	s2 =	stileid.u32  }
0x12b: {  	s1 =	rddreg [dreg:$0x1];
	p0 =	sne.s32 s2, $0x0  }
0x12c: {  	s3 =	rddreg [dreg:$0x2];
	[bflag:$0x3] =	sbarrier.arrive $0xFFFF;
	s2 =	simm.s32 @!p0 $0x1C03  }
0x12d: {  	[timem:s3], [sflag:s2] =	dma.local @!p0 [hbm:s0], s1  }
0x12e: {  	s0 =	simm.s32 @!p0 $0x3  }
0x12f: {  	_ =	swait.ge @!p0 [sflag:s0], s1  }
0x130: {  	s1 =	ssub.s32 @!p0 $0x0, s1;
	[sflag:s0] =	ssyncset.done @!p0 $0x0  }
0x131: {  	[sflag:s0] =	ssyncadd.s32 @!p0 s1  }
0x132: {  	[bflag:$0x3] =	sbarrier.arrive $0xFFFF  }
0x133: {  	_ =	shalt  }

</sc_bundles>
